<compile_context>
chip_gen: v7x
topology: tpu7x:2x2x1
jax: 0.10.2.dev20260603
libtpu: 0.0.44.dev20260713+nightly
codegen_flags: <defaults>
</compile_context>

<pallas_src>
import functools

import jax
import jax.numpy as jnp
from jax import lax
from jax.experimental import pallas as pl
from jax.experimental.pallas import tpu as pltpu
from jax.experimental.pallas import tpu_sc as plsc

_NC = 2
_NS = 16
_L = 16


def _onehot_body(B, Lx, D, x_hbm, out_hbm, xv, buf0, buf1, sem0, sem1):
    NW = _NC * _NS
    BPW = B // NW
    wid = lax.axis_index("s") * _NC + lax.axis_index("c")
    base = wid * BPW

    xcopy = pltpu.make_async_copy(x_hbm.at[pl.ds(base, BPW)], xv, sem0)
    xcopy.start()

    iota = lax.iota(jnp.int32, _L)
    ones_v = jnp.full((_L,), 1.0, jnp.float32)
    zeros_v = jnp.zeros((_L,), jnp.float32)
    n_full = Lx // _L
    tail = Lx - n_full * _L

    def scatter_batch(b, buf, val):
        for c in range(n_full):
            xk = xv[b, pl.ds(c * _L, _L)]
            plsc.store_scatter(buf, [c * _L + iota, xk], val)
        if tail:
            off = Lx - _L
            xk = xv[b, pl.ds(off, _L)]
            plsc.store_scatter(
                buf, [off + iota, xk], val, mask=iota >= (_L - tail)
            )

    def zero_plane(buf):
        def zb(j, carry):
            for r in range(4):
                for c in range(D // _L):
                    buf[4 * j + r, pl.ds(c * _L, _L)] = zeros_v
            return carry

        lax.fori_loop(0, Lx // 4, zb, 0)

    zero_plane(buf0)
    xcopy.wait()
    scatter_batch(0, buf0, ones_v)
    pltpu.make_async_copy(buf0, out_hbm.at[base], sem0).start()
    zero_plane(buf1)
    scatter_batch(1, buf1, ones_v)
    pltpu.make_async_copy(buf1, out_hbm.at[base + 1], sem1).start()

    def mbody(k, carry):
        i0 = 2 * k
        for d, buf, sem in ((0, buf0, sem0), (1, buf1, sem1)):
            i = i0 + d
            pltpu.make_async_copy(buf, out_hbm.at[base + i - 2], sem).wait()
            scatter_batch(i - 2, buf, zeros_v)
            scatter_batch(i, buf, ones_v)
            pltpu.make_async_copy(buf, out_hbm.at[base + i], sem).start()
        return carry

    lax.fori_loop(1, BPW // 2, mbody, 0)

    pltpu.make_async_copy(buf0, out_hbm.at[base + BPW - 2], sem0).wait()
    pltpu.make_async_copy(buf1, out_hbm.at[base + BPW - 1], sem1).wait()


def kernel(X_in, ones):
    B = X_in.shape[0]
    Lx = X_in.shape[-1]
    D = ones.shape[0]
    BPW = B // (_NC * _NS)

    X = X_in.reshape(B, Lx).astype(jnp.int32)
    body = functools.partial(_onehot_body, B, Lx, D)
    out = pl.kernel(
        body,
        out_type=jax.ShapeDtypeStruct((B, Lx, D), jnp.float32),
        mesh=plsc.VectorSubcoreMesh(
            core_axis_name="c", subcore_axis_name="s",
            num_cores=_NC, num_subcores=_NS,
        ),
        compiler_params=pltpu.CompilerParams(needs_layout_passes=False),
        scratch_types=[
            pltpu.VMEM((BPW, Lx), jnp.int32),
            pltpu.VMEM((Lx, D), jnp.float32),
            pltpu.VMEM((Lx, D), jnp.float32),
            pltpu.SemaphoreType.DMA,
            pltpu.SemaphoreType.DMA,
        ],
    )(X)
    return jnp.transpose(out, (0, 2, 1))

# --- scband reference (transcript-rebuilt; emitter-appended) ---
"""Pipeline reference for scband-one-hot-90795608638186 (READ-ONLY COPY).

The authoritative reference and input builder live on the scoring server;
editing this copy changes nothing except your own understanding.
"""

import jax, jax.numpy as jnp
import numpy as np

DEPTH = 128


def setup_inputs(seed: int = 0) -> dict:
    key = jax.random.key(seed)
    k1, _ = jax.random.split(key)
    X_in = jax.random.randint(k1, (1024, 1, 200), 0, DEPTH, dtype=jnp.int64)
    ones = jnp.eye(DEPTH, dtype=jnp.float32)
    return {"X_in": X_in, "ones": ones}


def reference(X_in, ones):
    # Faithful port of One_Hot.forward
    n_dim = X_in.ndim
    depth = ones.shape[0]
    output_size = tuple(X_in.shape) + (depth,)
    flat = X_in.reshape(-1).astype(jnp.int32)
    # index_select(0, flat) -> gather rows of the identity table
    out = jnp.take(ones, flat, axis=0).reshape(output_size)
    # permute(0, -1, 1, ..., n_dim-1): move one-hot depth to dim 1
    axes = (0, n_dim) + tuple(range(1, n_dim))
    out = jnp.transpose(out, axes)
    # squeeze(dim=2) (only removes if size 1; here size 1 from the [B,1,L] layout)
    if out.shape[2] == 1:
        out = jnp.squeeze(out, axis=2)
    return out.astype(jnp.float32)

if __name__ == "__main__":
    import jax
    _d = setup_inputs()
    print(jax.jit(kernel)(*tuple(_d.values())))

</pallas_src>

<mosaic_0001>
#map = affine_map<(d0, d1) -> (0, 0)>
#map1 = affine_map<(d0, d1) -> (0, 0, 0)>
module attributes {stable_mosaic.version = 14 : i64} {
  func.func @_onehot_body(%arg0: i32, %arg1: i32, %arg2: memref<1024x200xi32, #tpu.memory_space<hbm>>, %arg3: memref<1024x200x128xf32, #tpu.memory_space<hbm>>, %arg4: memref<32x200xi32, #tpu.memory_space<vmem>>, %arg5: memref<200x128xf32, #tpu.memory_space<vmem>>, %arg6: memref<200x128xf32, #tpu.memory_space<vmem>>, %arg7: memref<!tpu.dma_semaphore, #tpu.memory_space<semaphore_mem>>, %arg8: memref<!tpu.dma_semaphore, #tpu.memory_space<semaphore_mem>>) attributes {dimension_semantics = [#tpu.dimension_semantics<core_parallel>, #tpu.dimension_semantics<subcore_parallel>], iteration_bounds = array<i64: 2, 16>, scalar_prefetch = 0 : i64, scratch_operands = 5 : i64, tpu.core_type = #tpu.core_type<sc_vector_subcore>, window_params = [{transform_indices = #map}, {transform_indices = #map1}]} {
    %mul3A = arith.constant 2 : i32
    %mul3A_0 = arith.muli %arg1, %mul3A : i32
    %add3A = arith.addi %mul3A_0, %arg0 : i32
    %mul3A_1 = arith.constant 32 : i32
    %mul3A_2 = arith.muli %add3A, %mul3A_1 : i32
    %dma_start3A = arith.constant 0 : i32
    %dma_start3A_3 = tpu.memref_slice %arg2[%mul3A_2, %dma_start3A] : memref<1024x200xi32, #tpu.memory_space<hbm>> -> memref<32x200xi32, #tpu.memory_space<hbm>>
    %dma_start3A_4 = arith.constant 0 : i32
    %dma_start3A_5 = tpu.memref_slice %arg2[%mul3A_2, %dma_start3A_4] : memref<1024x200xi32, #tpu.memory_space<hbm>> -> memref<32x200xi32, #tpu.memory_space<hbm>>
    tpu.enqueue_dma source(%dma_start3A_5 : memref<32x200xi32, #tpu.memory_space<hbm>>) target(%arg4 : memref<32x200xi32, #tpu.memory_space<vmem>>) target_semaphore(%arg7 : memref<!tpu.dma_semaphore, #tpu.memory_space<semaphore_mem>>)
    %iota3A = tpu.iota {dimensions = array<i32: 0>} : vector<16xi32>
    %broadcast_in_dim3A = arith.constant 1.000000e+00 : f32
    %broadcast_in_dim3A_6 = vector.broadcast %broadcast_in_dim3A : f32 to vector<16xf32>
    %broadcast_in_dim3A_7 = arith.constant 0.000000e+00 : f32
    %broadcast_in_dim3A_8 = vector.broadcast %broadcast_in_dim3A_7 : f32 to vector<16xf32>
    %scan3A = arith.constant 0 : i32
    %scan3A_9 = arith.constant 0 : i32
    %scan3A_10 = arith.constant 50 : i32
    %scan3A_11 = arith.addi %scan3A_9, %scan3A_10 : i32
    %scan3A_12 = arith.constant 1 : i32
    scf.for %scan3A_256 = %scan3A_9 to %scan3A_11 step %scan3A_12  : i32 {
      %mul3A_257 = arith.constant 4 : i32
      %mul3A_258 = arith.muli %mul3A_257, %scan3A_256 : i32
      %add3A_259 = arith.constant 0 : i32
      %add3A_260 = arith.addi %mul3A_258, %add3A_259 : i32
      %swap3A = arith.index_cast %add3A_260 : i32 to index
      %swap3A_261 = arith.constant 0 : index
      %swap3A_262 = tpu.vector_load %arg5[%swap3A, %swap3A_261] {strides = array<i32>} : memref<200x128xf32, #tpu.memory_space<vmem>>, vector<16xf32>,
      tpu.vector_store %arg5[%swap3A, %swap3A_261], %broadcast_in_dim3A_8 {strides = array<i32>} : memref<200x128xf32, #tpu.memory_space<vmem>>, vector<16xf32>,
      %mul3A_263 = arith.constant 4 : i32
      %mul3A_264 = arith.muli %mul3A_263, %scan3A_256 : i32
      %add3A_265 = arith.constant 0 : i32
      %add3A_266 = arith.addi %mul3A_264, %add3A_265 : i32
      %swap3A_267 = arith.index_cast %add3A_266 : i32 to index
      %swap3A_268 = arith.constant 16 : index
      %swap3A_269 = tpu.vector_load %arg5[%swap3A_267, %swap3A_268] {strides = array<i32>} : memref<200x128xf32, #tpu.memory_space<vmem>>, vector<16xf32>,
      tpu.vector_store %arg5[%swap3A_267, %swap3A_268], %broadcast_in_dim3A_8 {strides = array<i32>} : memref<200x128xf32, #tpu.memory_space<vmem>>, vector<16xf32>,
      %mul3A_270 = arith.constant 4 : i32
      %mul3A_271 = arith.muli %mul3A_270, %scan3A_256 : i32
      %add3A_272 = arith.constant 0 : i32
      %add3A_273 = arith.addi %mul3A_271, %add3A_272 : i32
      %swap3A_274 = arith.index_cast %add3A_273 : i32 to index
      %swap3A_275 = arith.constant 32 : index
      %swap3A_276 = tpu.vector_load %arg5[%swap3A_274, %swap3A_275] {strides = array<i32>} : memref<200x128xf32, #tpu.memory_space<vmem>>, vector<16xf32>,
      tpu.vector_store %arg5[%swap3A_274, %swap3A_275], %broadcast_in_dim3A_8 {strides = array<i32>} : memref<200x128xf32, #tpu.memory_space<vmem>>, vector<16xf32>,
      %mul3A_277 = arith.constant 4 : i32
      %mul3A_278 = arith.muli %mul3A_277, %scan3A_256 : i32
      %add3A_279 = arith.constant 0 : i32
      %add3A_280 = arith.addi %mul3A_278, %add3A_279 : i32
      %swap3A_281 = arith.index_cast %add3A_280 : i32 to index
      %swap3A_282 = arith.constant 48 : index
      %swap3A_283 = tpu.vector_load %arg5[%swap3A_281, %swap3A_282] {strides = array<i32>} : memref<200x128xf32, #tpu.memory_space<vmem>>, vector<16xf32>,
      tpu.vector_store %arg5[%swap3A_281, %swap3A_282], %broadcast_in_dim3A_8 {strides = array<i32>} : memref<200x128xf32, #tpu.memory_space<vmem>>, vector<16xf32>,
      %mul3A_284 = arith.constant 4 : i32
      %mul3A_285 = arith.muli %mul3A_284, %scan3A_256 : i32
      %add3A_286 = arith.constant 0 : i32
      %add3A_287 = arith.addi %mul3A_285, %add3A_286 : i32
      %swap3A_288 = arith.index_cast %add3A_287 : i32 to index
      %swap3A_289 = arith.constant 64 : index
      %swap3A_290 = tpu.vector_load %arg5[%swap3A_288, %swap3A_289] {strides = array<i32>} : memref<200x128xf32, #tpu.memory_space<vmem>>, vector<16xf32>,
      tpu.vector_store %arg5[%swap3A_288, %swap3A_289], %broadcast_in_dim3A_8 {strides = array<i32>} : memref<200x128xf32, #tpu.memory_space<vmem>>, vector<16xf32>,
      %mul3A_291 = arith.constant 4 : i32
      %mul3A_292 = arith.muli %mul3A_291, %scan3A_256 : i32
      %add3A_293 = arith.constant 0 : i32
      %add3A_294 = arith.addi %mul3A_292, %add3A_293 : i32
      %swap3A_295 = arith.index_cast %add3A_294 : i32 to index
      %swap3A_296 = arith.constant 80 : index
      %swap3A_297 = tpu.vector_load %arg5[%swap3A_295, %swap3A_296] {strides = array<i32>} : memref<200x128xf32, #tpu.memory_space<vmem>>, vector<16xf32>,
      tpu.vector_store %arg5[%swap3A_295, %swap3A_296], %broadcast_in_dim3A_8 {strides = array<i32>} : memref<200x128xf32, #tpu.memory_space<vmem>>, vector<16xf32>,
      %mul3A_298 = arith.constant 4 : i32
      %mul3A_299 = arith.muli %mul3A_298, %scan3A_256 : i32
      %add3A_300 = arith.constant 0 : i32
      %add3A_301 = arith.addi %mul3A_299, %add3A_300 : i32
      %swap3A_302 = arith.index_cast %add3A_301 : i32 to index
      %swap3A_303 = arith.constant 96 : index
      %swap3A_304 = tpu.vector_load %arg5[%swap3A_302, %swap3A_303] {strides = array<i32>} : memref<200x128xf32, #tpu.memory_space<vmem>>, vector<16xf32>,
      tpu.vector_store %arg5[%swap3A_302, %swap3A_303], %broadcast_in_dim3A_8 {strides = array<i32>} : memref<200x128xf32, #tpu.memory_space<vmem>>, vector<16xf32>,
      %mul3A_305 = arith.constant 4 : i32
      %mul3A_306 = arith.muli %mul3A_305, %scan3A_256 : i32
      %add3A_307 = arith.constant 0 : i32
      %add3A_308 = arith.addi %mul3A_306, %add3A_307 : i32
      %swap3A_309 = arith.index_cast %add3A_308 : i32 to index
      %swap3A_310 = arith.constant 112 : index
      %swap3A_311 = tpu.vector_load %arg5[%swap3A_309, %swap3A_310] {strides = array<i32>} : memref<200x128xf32, #tpu.memory_space<vmem>>, vector<16xf32>,
      tpu.vector_store %arg5[%swap3A_309, %swap3A_310], %broadcast_in_dim3A_8 {strides = array<i32>} : memref<200x128xf32, #tpu.memory_space<vmem>>, vector<16xf32>,
      %mul3A_312 = arith.constant 4 : i32
      %mul3A_313 = arith.muli %mul3A_312, %scan3A_256 : i32
      %add3A_314 = arith.constant 1 : i32
      %add3A_315 = arith.addi %mul3A_313, %add3A_314 : i32
      %swap3A_316 = arith.index_cast %add3A_315 : i32 to index
      %swap3A_317 = arith.constant 0 : index
      %swap3A_318 = tpu.vector_load %arg5[%swap3A_316, %swap3A_317] {strides = array<i32>} : memref<200x128xf32, #tpu.memory_space<vmem>>, vector<16xf32>,
      tpu.vector_store %arg5[%swap3A_316, %swap3A_317], %broadcast_in_dim3A_8 {strides = array<i32>} : memref<200x128xf32, #tpu.memory_space<vmem>>, vector<16xf32>,
      %mul3A_319 = arith.constant 4 : i32
      %mul3A_320 = arith.muli %mul3A_319, %scan3A_256 : i32
      %add3A_321 = arith.constant 1 : i32
      %add3A_322 = arith.addi %mul3A_320, %add3A_321 : i32
      %swap3A_323 = arith.index_cast %add3A_322 : i32 to index
      %swap3A_324 = arith.constant 16 : index
      %swap3A_325 = tpu.vector_load %arg5[%swap3A_323, %swap3A_324] {strides = array<i32>} : memref<200x128xf32, #tpu.memory_space<vmem>>, vector<16xf32>,
      tpu.vector_store %arg5[%swap3A_323, %swap3A_324], %broadcast_in_dim3A_8 {strides = array<i32>} : memref<200x128xf32, #tpu.memory_space<vmem>>, vector<16xf32>,
      %mul3A_326 = arith.constant 4 : i32
      %mul3A_327 = arith.muli %mul3A_326, %scan3A_256 : i32
      %add3A_328 = arith.constant 1 : i32
      %add3A_329 = arith.addi %mul3A_327, %add3A_328 : i32
      %swap3A_330 = arith.index_cast %add3A_329 : i32 to index
      %swap3A_331 = arith.constant 32 : index
      %swap3A_332 = tpu.vector_load %arg5[%swap3A_330, %swap3A_331] {strides = array<i32>} : memref<200x128xf32, #tpu.memory_space<vmem>>, vector<16xf32>,
      tpu.vector_store %arg5[%swap3A_330, %swap3A_331], %broadcast_in_dim3A_8 {strides = array<i32>} : memref<200x128xf32, #tpu.memory_space<vmem>>, vector<16xf32>,
      %mul3A_333 = arith.constant 4 : i32
      %mul3A_334 = arith.muli %mul3A_333, %scan3A_256 : i32
      %add3A_335 = arith.constant 1 : i32
      %add3A_336 = arith.addi %mul3A_334, %add3A_335 : i32
      %swap3A_337 = arith.index_cast %add3A_336 : i32 to index
      %swap3A_338 = arith.constant 48 : index
      %swap3A_339 = tpu.vector_load %arg5[%swap3A_337, %swap3A_338] {strides = array<i32>} : memref<200x128xf32, #tpu.memory_space<vmem>>, vector<16xf32>,
      tpu.vector_store %arg5[%swap3A_337, %swap3A_338], %broadcast_in_dim3A_8 {strides = array<i32>} : memref<200x128xf32, #tpu.memory_space<vmem>>, vector<16xf32>,
      %mul3A_340 = arith.constant 4 : i32
      %mul3A_341 = arith.muli %mul3A_340, %scan3A_256 : i32
      %add3A_342 = arith.constant 1 : i32
      %add3A_343 = arith.addi %mul3A_341, %add3A_342 : i32
      %swap3A_344 = arith.index_cast %add3A_343 : i32 to index
      %swap3A_345 = arith.constant 64 : index
      %swap3A_346 = tpu.vector_load %arg5[%swap3A_344, %swap3A_345] {strides = array<i32>} : memref<200x128xf32, #tpu.memory_space<vmem>>, vector<16xf32>,
      tpu.vector_store %arg5[%swap3A_344, %swap3A_345], %broadcast_in_dim3A_8 {strides = array<i32>} : memref<200x128xf32, #tpu.memory_space<vmem>>, vector<16xf32>,
      %mul3A_347 = arith.constant 4 : i32
      %mul3A_348 = arith.muli %mul3A_347, %scan3A_256 : i32
      %add3A_349 = arith.constant 1 : i32
      %add3A_350 = arith.addi %mul3A_348, %add3A_349 : i32
      %swap3A_351 = arith.index_cast %add3A_350 : i32 to index
      %swap3A_352 = arith.constant 80 : index
      %swap3A_353 = tpu.vector_load %arg5[%swap3A_351, %swap3A_352] {strides = array<i32>} : memref<200x128xf32, #tpu.memory_space<vmem>>, vector<16xf32>,
      tpu.vector_store %arg5[%swap3A_351, %swap3A_352], %broadcast_in_dim3A_8 {strides = array<i32>} : memref<200x128xf32, #tpu.memory_space<vmem>>, vector<16xf32>,
      %mul3A_354 = arith.constant 4 : i32
      %mul3A_355 = arith.muli %mul3A_354, %scan3A_256 : i32
      %add3A_356 = arith.constant 1 : i32
      %add3A_357 = arith.addi %mul3A_355, %add3A_356 : i32
      %swap3A_358 = arith.index_cast %add3A_357 : i32 to index
      %swap3A_359 = arith.constant 96 : index
      %swap3A_360 = tpu.vector_load %arg5[%swap3A_358, %swap3A_359] {strides = array<i32>} : memref<200x128xf32, #tpu.memory_space<vmem>>, vector<16xf32>,
      tpu.vector_store %arg5[%swap3A_358, %swap3A_359], %broadcast_in_dim3A_8 {strides = array<i32>} : memref<200x128xf32, #tpu.memory_space<vmem>>, vector<16xf32>,
      %mul3A_361 = arith.constant 4 : i32
      %mul3A_362 = arith.muli %mul3A_361, %scan3A_256 : i32
      %add3A_363 = arith.constant 1 : i32
      %add3A_364 = arith.addi %mul3A_362, %add3A_363 : i32
      %swap3A_365 = arith.index_cast %add3A_364 : i32 to index
      %swap3A_366 = arith.constant 112 : index
      %swap3A_367 = tpu.vector_load %arg5[%swap3A_365, %swap3A_366] {strides = array<i32>} : memref<200x128xf32, #tpu.memory_space<vmem>>, vector<16xf32>,
      tpu.vector_store %arg5[%swap3A_365, %swap3A_366], %broadcast_in_dim3A_8 {strides = array<i32>} : memref<200x128xf32, #tpu.memory_space<vmem>>, vector<16xf32>,
      %mul3A_368 = arith.constant 4 : i32
      %mul3A_369 = arith.muli %mul3A_368, %scan3A_256 : i32
      %add3A_370 = arith.constant 2 : i32
      %add3A_371 = arith.addi %mul3A_369, %add3A_370 : i32
      %swap3A_372 = arith.index_cast %add3A_371 : i32 to index
      %swap3A_373 = arith.constant 0 : index
      %swap3A_374 = tpu.vector_load %arg5[%swap3A_372, %swap3A_373] {strides = array<i32>} : memref<200x128xf32, #tpu.memory_space<vmem>>, vector<16xf32>,
      tpu.vector_store %arg5[%swap3A_372, %swap3A_373], %broadcast_in_dim3A_8 {strides = array<i32>} : memref<200x128xf32, #tpu.memory_space<vmem>>, vector<16xf32>,
      %mul3A_375 = arith.constant 4 : i32
      %mul3A_376 = arith.muli %mul3A_375, %scan3A_256 : i32
      %add3A_377 = arith.constant 2 : i32
      %add3A_378 = arith.addi %mul3A_376, %add3A_377 : i32
      %swap3A_379 = arith.index_cast %add3A_378 : i32 to index
      %swap3A_380 = arith.constant 16 : index
      %swap3A_381 = tpu.vector_load %arg5[%swap3A_379, %swap3A_380] {strides = array<i32>} : memref<200x128xf32, #tpu.memory_space<vmem>>, vector<16xf32>,
      tpu.vector_store %arg5[%swap3A_379, %swap3A_380], %broadcast_in_dim3A_8 {strides = array<i32>} : memref<200x128xf32, #tpu.memory_space<vmem>>, vector<16xf32>,
      %mul3A_382 = arith.constant 4 : i32
      %mul3A_383 = arith.muli %mul3A_382, %scan3A_256 : i32
      %add3A_384 = arith.constant 2 : i32
      %add3A_385 = arith.addi %mul3A_383, %add3A_384 : i32
      %swap3A_386 = arith.index_cast %add3A_385 : i32 to index
      %swap3A_387 = arith.constant 32 : index
      %swap3A_388 = tpu.vector_load %arg5[%swap3A_386, %swap3A_387] {strides = array<i32>} : memref<200x128xf32, #tpu.memory_space<vmem>>, vector<16xf32>,
      tpu.vector_store %arg5[%swap3A_386, %swap3A_387], %broadcast_in_dim3A_8 {strides = array<i32>} : memref<200x128xf32, #tpu.memory_space<vmem>>, vector<16xf32>,
      %mul3A_389 = arith.constant 4 : i32
      %mul3A_390 = arith.muli %mul3A_389, %scan3A_256 : i32
      %add3A_391 = arith.constant 2 : i32
      %add3A_392 = arith.addi %mul3A_390, %add3A_391 : i32
      %swap3A_393 = arith.index_cast %add3A_392 : i32 to index
      %swap3A_394 = arith.constant 48 : index
      %swap3A_395 = tpu.vector_load %arg5[%swap3A_393, %swap3A_394] {strides = array<i32>} : memref<200x128xf32, #tpu.memory_space<vmem>>, vector<16xf32>,
      tpu.vector_store %arg5[%swap3A_393, %swap3A_394], %broadcast_in_dim3A_8 {strides = array<i32>} : memref<200x128xf32, #tpu.memory_space<vmem>>, vector<16xf32>,
      %mul3A_396 = arith.constant 4 : i32
      %mul3A_397 = arith.muli %mul3A_396, %scan3A_256 : i32
      %add3A_398 = arith.constant 2 : i32
      %add3A_399 = arith.addi %mul3A_397, %add3A_398 : i32
      %swap3A_400 = arith.index_cast %add3A_399 : i32 to index
      %swap3A_401 = arith.constant 64 : index
      %swap3A_402 = tpu.vector_load %arg5[%swap3A_400, %swap3A_401] {strides = array<i32>} : memref<200x128xf32, #tpu.memory_space<vmem>>, vector<16xf32>,
      tpu.vector_store %arg5[%swap3A_400, %swap3A_401], %broadcast_in_dim3A_8 {strides = array<i32>} : memref<200x128xf32, #tpu.memory_space<vmem>>, vector<16xf32>,
      %mul3A_403 = arith.constant 4 : i32
      %mul3A_404 = arith.muli %mul3A_403, %scan3A_256 : i32
      %add3A_405 = arith.constant 2 : i32
      %add3A_406 = arith.addi %mul3A_404, %add3A_405 : i32
      %swap3A_407 = arith.index_cast %add3A_406 : i32 to index
      %swap3A_408 = arith.constant 80 : index
      %swap3A_409 = tpu.vector_load %arg5[%swap3A_407, %swap3A_408] {strides = array<i32>} : memref<200x128xf32, #tpu.memory_space<vmem>>, vector<16xf32>,
      tpu.vector_store %arg5[%swap3A_407, %swap3A_408], %broadcast_in_dim3A_8 {strides = array<i32>} : memref<200x128xf32, #tpu.memory_space<vmem>>, vector<16xf32>,
      %mul3A_410 = arith.constant 4 : i32
      %mul3A_411 = arith.muli %mul3A_410, %scan3A_256 : i32
      %add3A_412 = arith.constant 2 : i32
      %add3A_413 = arith.addi %mul3A_411, %add3A_412 : i32
      %swap3A_414 = arith.index_cast %add3A_413 : i32 to index
      %swap3A_415 = arith.constant 96 : index
      %swap3A_416 = tpu.vector_load %arg5[%swap3A_414, %swap3A_415] {strides = array<i32>} : memref<200x128xf32, #tpu.memory_space<vmem>>, vector<16xf32>,
      tpu.vector_store %arg5[%swap3A_414, %swap3A_415], %broadcast_in_dim3A_8 {strides = array<i32>} : memref<200x128xf32, #tpu.memory_space<vmem>>, vector<16xf32>,
      %mul3A_417 = arith.constant 4 : i32
      %mul3A_418 = arith.muli %mul3A_417, %scan3A_256 : i32
      %add3A_419 = arith.constant 2 : i32
      %add3A_420 = arith.addi %mul3A_418, %add3A_419 : i32
      %swap3A_421 = arith.index_cast %add3A_420 : i32 to index
      %swap3A_422 = arith.constant 112 : index
      %swap3A_423 = tpu.vector_load %arg5[%swap3A_421, %swap3A_422] {strides = array<i32>} : memref<200x128xf32, #tpu.memory_space<vmem>>, vector<16xf32>,
      tpu.vector_store %arg5[%swap3A_421, %swap3A_422], %broadcast_in_dim3A_8 {strides = array<i32>} : memref<200x128xf32, #tpu.memory_space<vmem>>, vector<16xf32>,
      %mul3A_424 = arith.constant 4 : i32
      %mul3A_425 = arith.muli %mul3A_424, %scan3A_256 : i32
      %add3A_426 = arith.constant 3 : i32
      %add3A_427 = arith.addi %mul3A_425, %add3A_426 : i32
      %swap3A_428 = arith.index_cast %add3A_427 : i32 to index
      %swap3A_429 = arith.constant 0 : index
      %swap3A_430 = tpu.vector_load %arg5[%swap3A_428, %swap3A_429] {strides = array<i32>} : memref<200x128xf32, #tpu.memory_space<vmem>>, vector<16xf32>,
      tpu.vector_store %arg5[%swap3A_428, %swap3A_429], %broadcast_in_dim3A_8 {strides = array<i32>} : memref<200x128xf32, #tpu.memory_space<vmem>>, vector<16xf32>,
      %mul3A_431 = arith.constant 4 : i32
      %mul3A_432 = arith.muli %mul3A_431, %scan3A_256 : i32
      %add3A_433 = arith.constant 3 : i32
      %add3A_434 = arith.addi %mul3A_432, %add3A_433 : i32
      %swap3A_435 = arith.index_cast %add3A_434 : i32 to index
      %swap3A_436 = arith.constant 16 : index
      %swap3A_437 = tpu.vector_load %arg5[%swap3A_435, %swap3A_436] {strides = array<i32>} : memref<200x128xf32, #tpu.memory_space<vmem>>, vector<16xf32>,
      tpu.vector_store %arg5[%swap3A_435, %swap3A_436], %broadcast_in_dim3A_8 {strides = array<i32>} : memref<200x128xf32, #tpu.memory_space<vmem>>, vector<16xf32>,
      %mul3A_438 = arith.constant 4 : i32
      %mul3A_439 = arith.muli %mul3A_438, %scan3A_256 : i32
      %add3A_440 = arith.constant 3 : i32
      %add3A_441 = arith.addi %mul3A_439, %add3A_440 : i32
      %swap3A_442 = arith.index_cast %add3A_441 : i32 to index
      %swap3A_443 = arith.constant 32 : index
      %swap3A_444 = tpu.vector_load %arg5[%swap3A_442, %swap3A_443] {strides = array<i32>} : memref<200x128xf32, #tpu.memory_space<vmem>>, vector<16xf32>,
      tpu.vector_store %arg5[%swap3A_442, %swap3A_443], %broadcast_in_dim3A_8 {strides = array<i32>} : memref<200x128xf32, #tpu.memory_space<vmem>>, vector<16xf32>,
      %mul3A_445 = arith.constant 4 : i32
      %mul3A_446 = arith.muli %mul3A_445, %scan3A_256 : i32
      %add3A_447 = arith.constant 3 : i32
      %add3A_448 = arith.addi %mul3A_446, %add3A_447 : i32
      %swap3A_449 = arith.index_cast %add3A_448 : i32 to index
      %swap3A_450 = arith.constant 48 : index
      %swap3A_451 = tpu.vector_load %arg5[%swap3A_449, %swap3A_450] {strides = array<i32>} : memref<200x128xf32, #tpu.memory_space<vmem>>, vector<16xf32>,
      tpu.vector_store %arg5[%swap3A_449, %swap3A_450], %broadcast_in_dim3A_8 {strides = array<i32>} : memref<200x128xf32, #tpu.memory_space<vmem>>, vector<16xf32>,
      %mul3A_452 = arith.constant 4 : i32
      %mul3A_453 = arith.muli %mul3A_452, %scan3A_256 : i32
      %add3A_454 = arith.constant 3 : i32
      %add3A_455 = arith.addi %mul3A_453, %add3A_454 : i32
      %swap3A_456 = arith.index_cast %add3A_455 : i32 to index
      %swap3A_457 = arith.constant 64 : index
      %swap3A_458 = tpu.vector_load %arg5[%swap3A_456, %swap3A_457] {strides = array<i32>} : memref<200x128xf32, #tpu.memory_space<vmem>>, vector<16xf32>,
      tpu.vector_store %arg5[%swap3A_456, %swap3A_457], %broadcast_in_dim3A_8 {strides = array<i32>} : memref<200x128xf32, #tpu.memory_space<vmem>>, vector<16xf32>,
      %mul3A_459 = arith.constant 4 : i32
      %mul3A_460 = arith.muli %mul3A_459, %scan3A_256 : i32
      %add3A_461 = arith.constant 3 : i32
      %add3A_462 = arith.addi %mul3A_460, %add3A_461 : i32
      %swap3A_463 = arith.index_cast %add3A_462 : i32 to index
      %swap3A_464 = arith.constant 80 : index
      %swap3A_465 = tpu.vector_load %arg5[%swap3A_463, %swap3A_464] {strides = array<i32>} : memref<200x128xf32, #tpu.memory_space<vmem>>, vector<16xf32>,
      tpu.vector_store %arg5[%swap3A_463, %swap3A_464], %broadcast_in_dim3A_8 {strides = array<i32>} : memref<200x128xf32, #tpu.memory_space<vmem>>, vector<16xf32>,
      %mul3A_466 = arith.constant 4 : i32
      %mul3A_467 = arith.muli %mul3A_466, %scan3A_256 : i32
      %add3A_468 = arith.constant 3 : i32
      %add3A_469 = arith.addi %mul3A_467, %add3A_468 : i32
      %swap3A_470 = arith.index_cast %add3A_469 : i32 to index
      %swap3A_471 = arith.constant 96 : index
      %swap3A_472 = tpu.vector_load %arg5[%swap3A_470, %swap3A_471] {strides = array<i32>} : memref<200x128xf32, #tpu.memory_space<vmem>>, vector<16xf32>,
      tpu.vector_store %arg5[%swap3A_470, %swap3A_471], %broadcast_in_dim3A_8 {strides = array<i32>} : memref<200x128xf32, #tpu.memory_space<vmem>>, vector<16xf32>,
      %mul3A_473 = arith.constant 4 : i32
      %mul3A_474 = arith.muli %mul3A_473, %scan3A_256 : i32
      %add3A_475 = arith.constant 3 : i32
      %add3A_476 = arith.addi %mul3A_474, %add3A_475 : i32
      %swap3A_477 = arith.index_cast %add3A_476 : i32 to index
      %swap3A_478 = arith.constant 112 : index
      %swap3A_479 = tpu.vector_load %arg5[%swap3A_477, %swap3A_478] {strides = array<i32>} : memref<200x128xf32, #tpu.memory_space<vmem>>, vector<16xf32>,
      tpu.vector_store %arg5[%swap3A_477, %swap3A_478], %broadcast_in_dim3A_8 {strides = array<i32>} : memref<200x128xf32, #tpu.memory_space<vmem>>, vector<16xf32>,
    }
    %scan3A_13 = arith.constant 50 : i32
    %dma_wait3A = arith.constant 0 : i32
    %dma_wait3A_14 = tpu.memref_slice %arg2[%mul3A_2, %dma_wait3A] : memref<1024x200xi32, #tpu.memory_space<hbm>> -> memref<32x200xi32, #tpu.memory_space<hbm>>
    %dma_wait3A_15 = arith.constant 0 : i32
    %dma_wait3A_16 = tpu.memref_slice %arg2[%mul3A_2, %dma_wait3A_15] : memref<1024x200xi32, #tpu.memory_space<hbm>> -> memref<32x200xi32, #tpu.memory_space<hbm>>
    tpu.wait_dma2 semaphore(%arg7 : memref<!tpu.dma_semaphore, #tpu.memory_space<semaphore_mem>>) src(%dma_wait3A_16 : memref<32x200xi32, #tpu.memory_space<hbm>>) dst(%arg4 : memref<32x200xi32, #tpu.memory_space<vmem>>)
    %get3A = arith.constant 0 : i32
    %get3A_17 = arith.index_cast %get3A : i32 to index
    %get3A_18 = arith.constant 0 : index
    %get3A_19 = tpu.vector_load %arg4[%get3A_17, %get3A_18] {strides = array<i32>} : memref<32x200xi32, #tpu.memory_space<vmem>>, vector<16xi32>,
    %add3A_20 = arith.constant 0 : i32
    %add3A_21 = vector.broadcast %add3A_20 : i32 to vector<16xi32>
    %add3A_22 = arith.addi %add3A_21, %iota3A : vector<16xi32>
    tpu.vector_store_idx %arg5[%add3A_22, %get3A_19], %broadcast_in_dim3A_6 : memref<200x128xf32, #tpu.memory_space<vmem>>[vector<16xi32>, vector<16xi32>], vector<16xf32>,
    %get3A_23 = arith.constant 0 : i32
    %get3A_24 = arith.index_cast %get3A_23 : i32 to index
    %get3A_25 = arith.constant 16 : index
    %get3A_26 = tpu.vector_load %arg4[%get3A_24, %get3A_25] {strides = array<i32>} : memref<32x200xi32, #tpu.memory_space<vmem>>, vector<16xi32>,
    %add3A_27 = arith.constant 16 : i32
    %add3A_28 = vector.broadcast %add3A_27 : i32 to vector<16xi32>
    %add3A_29 = arith.addi %add3A_28, %iota3A : vector<16xi32>
    tpu.vector_store_idx %arg5[%add3A_29, %get3A_26], %broadcast_in_dim3A_6 : memref<200x128xf32, #tpu.memory_space<vmem>>[vector<16xi32>, vector<16xi32>], vector<16xf32>,
    %get3A_30 = arith.constant 0 : i32
    %get3A_31 = arith.index_cast %get3A_30 : i32 to index
    %get3A_32 = arith.constant 32 : index
    %get3A_33 = tpu.vector_load %arg4[%get3A_31, %get3A_32] {strides = array<i32>} : memref<32x200xi32, #tpu.memory_space<vmem>>, vector<16xi32>,
    %add3A_34 = arith.constant 32 : i32
    %add3A_35 = vector.broadcast %add3A_34 : i32 to vector<16xi32>
    %add3A_36 = arith.addi %add3A_35, %iota3A : vector<16xi32>
    tpu.vector_store_idx %arg5[%add3A_36, %get3A_33], %broadcast_in_dim3A_6 : memref<200x128xf32, #tpu.memory_space<vmem>>[vector<16xi32>, vector<16xi32>], vector<16xf32>,
    %get3A_37 = arith.constant 0 : i32
    %get3A_38 = arith.index_cast %get3A_37 : i32 to index
    %get3A_39 = arith.constant 48 : index
    %get3A_40 = tpu.vector_load %arg4[%get3A_38, %get3A_39] {strides = array<i32>} : memref<32x200xi32, #tpu.memory_space<vmem>>, vector<16xi32>,
    %add3A_41 = arith.constant 48 : i32
    %add3A_42 = vector.broadcast %add3A_41 : i32 to vector<16xi32>
    %add3A_43 = arith.addi %add3A_42, %iota3A : vector<16xi32>
    tpu.vector_store_idx %arg5[%add3A_43, %get3A_40], %broadcast_in_dim3A_6 : memref<200x128xf32, #tpu.memory_space<vmem>>[vector<16xi32>, vector<16xi32>], vector<16xf32>,
    %get3A_44 = arith.constant 0 : i32
    %get3A_45 = arith.index_cast %get3A_44 : i32 to index
    %get3A_46 = arith.constant 64 : index
    %get3A_47 = tpu.vector_load %arg4[%get3A_45, %get3A_46] {strides = array<i32>} : memref<32x200xi32, #tpu.memory_space<vmem>>, vector<16xi32>,
    %add3A_48 = arith.constant 64 : i32
    %add3A_49 = vector.broadcast %add3A_48 : i32 to vector<16xi32>
    %add3A_50 = arith.addi %add3A_49, %iota3A : vector<16xi32>
    tpu.vector_store_idx %arg5[%add3A_50, %get3A_47], %broadcast_in_dim3A_6 : memref<200x128xf32, #tpu.memory_space<vmem>>[vector<16xi32>, vector<16xi32>], vector<16xf32>,
    %get3A_51 = arith.constant 0 : i32
    %get3A_52 = arith.index_cast %get3A_51 : i32 to index
    %get3A_53 = arith.constant 80 : index
    %get3A_54 = tpu.vector_load %arg4[%get3A_52, %get3A_53] {strides = array<i32>} : memref<32x200xi32, #tpu.memory_space<vmem>>, vector<16xi32>,
    %add3A_55 = arith.constant 80 : i32
    %add3A_56 = vector.broadcast %add3A_55 : i32 to vector<16xi32>
    %add3A_57 = arith.addi %add3A_56, %iota3A : vector<16xi32>
    tpu.vector_store_idx %arg5[%add3A_57, %get3A_54], %broadcast_in_dim3A_6 : memref<200x128xf32, #tpu.memory_space<vmem>>[vector<16xi32>, vector<16xi32>], vector<16xf32>,
    %get3A_58 = arith.constant 0 : i32
    %get3A_59 = arith.index_cast %get3A_58 : i32 to index
    %get3A_60 = arith.constant 96 : index
    %get3A_61 = tpu.vector_load %arg4[%get3A_59, %get3A_60] {strides = array<i32>} : memref<32x200xi32, #tpu.memory_space<vmem>>, vector<16xi32>,
    %add3A_62 = arith.constant 96 : i32
    %add3A_63 = vector.broadcast %add3A_62 : i32 to vector<16xi32>
    %add3A_64 = arith.addi %add3A_63, %iota3A : vector<16xi32>
    tpu.vector_store_idx %arg5[%add3A_64, %get3A_61], %broadcast_in_dim3A_6 : memref<200x128xf32, #tpu.memory_space<vmem>>[vector<16xi32>, vector<16xi32>], vector<16xf32>,
    %get3A_65 = arith.constant 0 : i32
    %get3A_66 = arith.index_cast %get3A_65 : i32 to index
    %get3A_67 = arith.constant 112 : index
    %get3A_68 = tpu.vector_load %arg4[%get3A_66, %get3A_67] {strides = array<i32>} : memref<32x200xi32, #tpu.memory_space<vmem>>, vector<16xi32>,
    %add3A_69 = arith.constant 112 : i32
    %add3A_70 = vector.broadcast %add3A_69 : i32 to vector<16xi32>
    %add3A_71 = arith.addi %add3A_70, %iota3A : vector<16xi32>
    tpu.vector_store_idx %arg5[%add3A_71, %get3A_68], %broadcast_in_dim3A_6 : memref<200x128xf32, #tpu.memory_space<vmem>>[vector<16xi32>, vector<16xi32>], vector<16xf32>,
    %get3A_72 = arith.constant 0 : i32
    %get3A_73 = arith.index_cast %get3A_72 : i32 to index
    %get3A_74 = arith.constant 128 : index
    %get3A_75 = tpu.vector_load %arg4[%get3A_73, %get3A_74] {strides = array<i32>} : memref<32x200xi32, #tpu.memory_space<vmem>>, vector<16xi32>,
    %add3A_76 = arith.constant 128 : i32
    %add3A_77 = vector.broadcast %add3A_76 : i32 to vector<16xi32>
    %add3A_78 = arith.addi %add3A_77, %iota3A : vector<16xi32>
    tpu.vector_store_idx %arg5[%add3A_78, %get3A_75], %broadcast_in_dim3A_6 : memref<200x128xf32, #tpu.memory_space<vmem>>[vector<16xi32>, vector<16xi32>], vector<16xf32>,
    %get3A_79 = arith.constant 0 : i32
    %get3A_80 = arith.index_cast %get3A_79 : i32 to index
    %get3A_81 = arith.constant 144 : index
    %get3A_82 = tpu.vector_load %arg4[%get3A_80, %get3A_81] {strides = array<i32>} : memref<32x200xi32, #tpu.memory_space<vmem>>, vector<16xi32>,
    %add3A_83 = arith.constant 144 : i32
    %add3A_84 = vector.broadcast %add3A_83 : i32 to vector<16xi32>
    %add3A_85 = arith.addi %add3A_84, %iota3A : vector<16xi32>
    tpu.vector_store_idx %arg5[%add3A_85, %get3A_82], %broadcast_in_dim3A_6 : memref<200x128xf32, #tpu.memory_space<vmem>>[vector<16xi32>, vector<16xi32>], vector<16xf32>,
    %get3A_86 = arith.constant 0 : i32
    %get3A_87 = arith.index_cast %get3A_86 : i32 to index
    %get3A_88 = arith.constant 160 : index
    %get3A_89 = tpu.vector_load %arg4[%get3A_87, %get3A_88] {strides = array<i32>} : memref<32x200xi32, #tpu.memory_space<vmem>>, vector<16xi32>,
    %add3A_90 = arith.constant 160 : i32
    %add3A_91 = vector.broadcast %add3A_90 : i32 to vector<16xi32>
    %add3A_92 = arith.addi %add3A_91, %iota3A : vector<16xi32>
    tpu.vector_store_idx %arg5[%add3A_92, %get3A_89], %broadcast_in_dim3A_6 : memref<200x128xf32, #tpu.memory_space<vmem>>[vector<16xi32>, vector<16xi32>], vector<16xf32>,
    %get3A_93 = arith.constant 0 : i32
    %get3A_94 = arith.index_cast %get3A_93 : i32 to index
    %get3A_95 = arith.constant 176 : index
    %get3A_96 = tpu.vector_load %arg4[%get3A_94, %get3A_95] {strides = array<i32>} : memref<32x200xi32, #tpu.memory_space<vmem>>, vector<16xi32>,
    %add3A_97 = arith.constant 176 : i32
    %add3A_98 = vector.broadcast %add3A_97 : i32 to vector<16xi32>
    %add3A_99 = arith.addi %add3A_98, %iota3A : vector<16xi32>
    tpu.vector_store_idx %arg5[%add3A_99, %get3A_96], %broadcast_in_dim3A_6 : memref<200x128xf32, #tpu.memory_space<vmem>>[vector<16xi32>, vector<16xi32>], vector<16xf32>,
    %get3A_100 = arith.constant 0 : i32
    %get3A_101 = arith.index_cast %get3A_100 : i32 to index
    %get3A_102 = arith.constant 184 : index
    %get3A_103 = tpu.vector_load %arg4[%get3A_101, %get3A_102] {strides = array<i32>} : memref<32x200xi32, #tpu.memory_space<vmem>>, vector<16xi32>,
    %add3A_104 = arith.constant 184 : i32
    %add3A_105 = vector.broadcast %add3A_104 : i32 to vector<16xi32>
    %add3A_106 = arith.addi %add3A_105, %iota3A : vector<16xi32>
    %ge3A = arith.constant 8 : i32
    %ge3A_107 = vector.broadcast %ge3A : i32 to vector<16xi32>
    %ge3A_108 = arith.cmpi sge, %iota3A, %ge3A_107 : vector<16xi32>
    tpu.vector_store_idx %arg5[%add3A_106, %get3A_103], %broadcast_in_dim3A_6 masked %ge3A_108 : memref<200x128xf32, #tpu.memory_space<vmem>>[vector<16xi32>, vector<16xi32>], vector<16xf32>, vector<16xi1>
    %dma_start3A_109 = arith.constant 0 : i32
    %dma_start3A_110 = arith.constant 0 : i32
    %dma_start3A_111 = tpu.memref_slice %arg3[%mul3A_2, %dma_start3A_109, %dma_start3A_110] : memref<1024x200x128xf32, #tpu.memory_space<hbm>> -> memref<1x200x128xf32, #tpu.memory_space<hbm>>
    %dma_start3A_112 = tpu.memref_squeeze %dma_start3A_111 : memref<1x200x128xf32, #tpu.memory_space<hbm>> -> memref<200x128xf32, #tpu.memory_space<hbm>>
    %dma_start3A_113 = arith.constant 0 : i32
    %dma_start3A_114 = arith.constant 0 : i32
    %dma_start3A_115 = tpu.memref_slice %arg3[%mul3A_2, %dma_start3A_113, %dma_start3A_114] : memref<1024x200x128xf32, #tpu.memory_space<hbm>> -> memref<1x200x128xf32, #tpu.memory_space<hbm>>
    %dma_start3A_116 = tpu.memref_squeeze %dma_start3A_115 : memref<1x200x128xf32, #tpu.memory_space<hbm>> -> memref<200x128xf32, #tpu.memory_space<hbm>>
    tpu.enqueue_dma source(%arg5 : memref<200x128xf32, #tpu.memory_space<vmem>>) target(%dma_start3A_116 : memref<200x128xf32, #tpu.memory_space<hbm>>) target_semaphore(%arg7 : memref<!tpu.dma_semaphore, #tpu.memory_space<semaphore_mem>>)
    %scan3A_117 = arith.constant 0 : i32
    %scan3A_118 = arith.constant 0 : i32
    %scan3A_119 = arith.constant 50 : i32
    %scan3A_120 = arith.addi %scan3A_118, %scan3A_119 : i32
    %scan3A_121 = arith.constant 1 : i32
    scf.for %scan3A_256 = %scan3A_118 to %scan3A_120 step %scan3A_121  : i32 {
      %mul3A_257 = arith.constant 4 : i32
      %mul3A_258 = arith.muli %mul3A_257, %scan3A_256 : i32
      %add3A_259 = arith.constant 0 : i32
      %add3A_260 = arith.addi %mul3A_258, %add3A_259 : i32
      %swap3A = arith.index_cast %add3A_260 : i32 to index
      %swap3A_261 = arith.constant 0 : index
      %swap3A_262 = tpu.vector_load %arg6[%swap3A, %swap3A_261] {strides = array<i32>} : memref<200x128xf32, #tpu.memory_space<vmem>>, vector<16xf32>,
      tpu.vector_store %arg6[%swap3A, %swap3A_261], %broadcast_in_dim3A_8 {strides = array<i32>} : memref<200x128xf32, #tpu.memory_space<vmem>>, vector<16xf32>,
      %mul3A_263 = arith.constant 4 : i32
      %mul3A_264 = arith.muli %mul3A_263, %scan3A_256 : i32
      %add3A_265 = arith.constant 0 : i32
      %add3A_266 = arith.addi %mul3A_264, %add3A_265 : i32
      %swap3A_267 = arith.index_cast %add3A_266 : i32 to index
      %swap3A_268 = arith.constant 16 : index
      %swap3A_269 = tpu.vector_load %arg6[%swap3A_267, %swap3A_268] {strides = array<i32>} : memref<200x128xf32, #tpu.memory_space<vmem>>, vector<16xf32>,
      tpu.vector_store %arg6[%swap3A_267, %swap3A_268], %broadcast_in_dim3A_8 {strides = array<i32>} : memref<200x128xf32, #tpu.memory_space<vmem>>, vector<16xf32>,
      %mul3A_270 = arith.constant 4 : i32
      %mul3A_271 = arith.muli %mul3A_270, %scan3A_256 : i32
      %add3A_272 = arith.constant 0 : i32
      %add3A_273 = arith.addi %mul3A_271, %add3A_272 : i32
      %swap3A_274 = arith.index_cast %add3A_273 : i32 to index
      %swap3A_275 = arith.constant 32 : index
      %swap3A_276 = tpu.vector_load %arg6[%swap3A_274, %swap3A_275] {strides = array<i32>} : memref<200x128xf32, #tpu.memory_space<vmem>>, vector<16xf32>,
      tpu.vector_store %arg6[%swap3A_274, %swap3A_275], %broadcast_in_dim3A_8 {strides = array<i32>} : memref<200x128xf32, #tpu.memory_space<vmem>>, vector<16xf32>,
      %mul3A_277 = arith.constant 4 : i32
      %mul3A_278 = arith.muli %mul3A_277, %scan3A_256 : i32
      %add3A_279 = arith.constant 0 : i32
      %add3A_280 = arith.addi %mul3A_278, %add3A_279 : i32
      %swap3A_281 = arith.index_cast %add3A_280 : i32 to index
      %swap3A_282 = arith.constant 48 : index
      %swap3A_283 = tpu.vector_load %arg6[%swap3A_281, %swap3A_282] {strides = array<i32>} : memref<200x128xf32, #tpu.memory_space<vmem>>, vector<16xf32>,
      tpu.vector_store %arg6[%swap3A_281, %swap3A_282], %broadcast_in_dim3A_8 {strides = array<i32>} : memref<200x128xf32, #tpu.memory_space<vmem>>, vector<16xf32>,
      %mul3A_284 = arith.constant 4 : i32
      %mul3A_285 = arith.muli %mul3A_284, %scan3A_256 : i32
      %add3A_286 = arith.constant 0 : i32
      %add3A_287 = arith.addi %mul3A_285, %add3A_286 : i32
      %swap3A_288 = arith.index_cast %add3A_287 : i32 to index
      %swap3A_289 = arith.constant 64 : index
      %swap3A_290 = tpu.vector_load %arg6[%swap3A_288, %swap3A_289] {strides = array<i32>} : memref<200x128xf32, #tpu.memory_space<vmem>>, vector<16xf32>,
      tpu.vector_store %arg6[%swap3A_288, %swap3A_289], %broadcast_in_dim3A_8 {strides = array<i32>} : memref<200x128xf32, #tpu.memory_space<vmem>>, vector<16xf32>,
      %mul3A_291 = arith.constant 4 : i32
      %mul3A_292 = arith.muli %mul3A_291, %scan3A_256 : i32
      %add3A_293 = arith.constant 0 : i32
      %add3A_294 = arith.addi %mul3A_292, %add3A_293 : i32
      %swap3A_295 = arith.index_cast %add3A_294 : i32 to index
      %swap3A_296 = arith.constant 80 : index
      %swap3A_297 = tpu.vector_load %arg6[%swap3A_295, %swap3A_296] {strides = array<i32>} : memref<200x128xf32, #tpu.memory_space<vmem>>, vector<16xf32>,
      tpu.vector_store %arg6[%swap3A_295, %swap3A_296], %broadcast_in_dim3A_8 {strides = array<i32>} : memref<200x128xf32, #tpu.memory_space<vmem>>, vector<16xf32>,
      %mul3A_298 = arith.constant 4 : i32
      %mul3A_299 = arith.muli %mul3A_298, %scan3A_256 : i32
      %add3A_300 = arith.constant 0 : i32
      %add3A_301 = arith.addi %mul3A_299, %add3A_300 : i32
      %swap3A_302 = arith.index_cast %add3A_301 : i32 to index
      %swap3A_303 = arith.constant 96 : index
      %swap3A_304 = tpu.vector_load %arg6[%swap3A_302, %swap3A_303] {strides = array<i32>} : memref<200x128xf32, #tpu.memory_space<vmem>>, vector<16xf32>,
      tpu.vector_store %arg6[%swap3A_302, %swap3A_303], %broadcast_in_dim3A_8 {strides = array<i32>} : memref<200x128xf32, #tpu.memory_space<vmem>>, vector<16xf32>,
      %mul3A_305 = arith.constant 4 : i32
      %mul3A_306 = arith.muli %mul3A_305, %scan3A_256 : i32
      %add3A_307 = arith.constant 0 : i32
      %add3A_308 = arith.addi %mul3A_306, %add3A_307 : i32
      %swap3A_309 = arith.index_cast %add3A_308 : i32 to index
      %swap3A_310 = arith.constant 112 : index
      %swap3A_311 = tpu.vector_load %arg6[%swap3A_309, %swap3A_310] {strides = array<i32>} : memref<200x128xf32, #tpu.memory_space<vmem>>, vector<16xf32>,
      tpu.vector_store %arg6[%swap3A_309, %swap3A_310], %broadcast_in_dim3A_8 {strides = array<i32>} : memref<200x128xf32, #tpu.memory_space<vmem>>, vector<16xf32>,
      %mul3A_312 = arith.constant 4 : i32
      %mul3A_313 = arith.muli %mul3A_312, %scan3A_256 : i32
      %add3A_314 = arith.constant 1 : i32
      %add3A_315 = arith.addi %mul3A_313, %add3A_314 : i32
      %swap3A_316 = arith.index_cast %add3A_315 : i32 to index
      %swap3A_317 = arith.constant 0 : index
      %swap3A_318 = tpu.vector_load %arg6[%swap3A_316, %swap3A_317] {strides = array<i32>} : memref<200x128xf32, #tpu.memory_space<vmem>>, vector<16xf32>,
      tpu.vector_store %arg6[%swap3A_316, %swap3A_317], %broadcast_in_dim3A_8 {strides = array<i32>} : memref<200x128xf32, #tpu.memory_space<vmem>>, vector<16xf32>,
      %mul3A_319 = arith.constant 4 : i32
      %mul3A_320 = arith.muli %mul3A_319, %scan3A_256 : i32
      %add3A_321 = arith.constant 1 : i32
      %add3A_322 = arith.addi %mul3A_320, %add3A_321 : i32
      %swap3A_323 = arith.index_cast %add3A_322 : i32 to index
      %swap3A_324 = arith.constant 16 : index
      %swap3A_325 = tpu.vector_load %arg6[%swap3A_323, %swap3A_324] {strides = array<i32>} : memref<200x128xf32, #tpu.memory_space<vmem>>, vector<16xf32>,
      tpu.vector_store %arg6[%swap3A_323, %swap3A_324], %broadcast_in_dim3A_8 {strides = array<i32>} : memref<200x128xf32, #tpu.memory_space<vmem>>, vector<16xf32>,
      %mul3A_326 = arith.constant 4 : i32
      %mul3A_327 = arith.muli %mul3A_326, %scan3A_256 : i32
      %add3A_328 = arith.constant 1 : i32
      %add3A_329 = arith.addi %mul3A_327, %add3A_328 : i32
      %swap3A_330 = arith.index_cast %add3A_329 : i32 to index
      %swap3A_331 = arith.constant 32 : index
      %swap3A_332 = tpu.vector_load %arg6[%swap3A_330, %swap3A_331] {strides = array<i32>} : memref<200x128xf32, #tpu.memory_space<vmem>>, vector<16xf32>,
      tpu.vector_store %arg6[%swap3A_330, %swap3A_331], %broadcast_in_dim3A_8 {strides = array<i32>} : memref<200x128xf32, #tpu.memory_space<vmem>>, vector<16xf32>,
      %mul3A_333 = arith.constant 4 : i32
      %mul3A_334 = arith.muli %mul3A_333, %scan3A_256 : i32
      %add3A_335 = arith.constant 1 : i32
      %add3A_336 = arith.addi %mul3A_334, %add3A_335 : i32
      %swap3A_337 = arith.index_cast %add3A_336 : i32 to index
      %swap3A_338 = arith.constant 48 : index
      %swap3A_339 = tpu.vector_load %arg6[%swap3A_337, %swap3A_338] {strides = array<i32>} : memref<200x128xf32, #tpu.memory_space<vmem>>, vector<16xf32>,
      tpu.vector_store %arg6[%swap3A_337, %swap3A_338], %broadcast_in_dim3A_8 {strides = array<i32>} : memref<200x128xf32, #tpu.memory_space<vmem>>, vector<16xf32>,
      %mul3A_340 = arith.constant 4 : i32
      %mul3A_341 = arith.muli %mul3A_340, %scan3A_256 : i32
      %add3A_342 = arith.constant 1 : i32
      %add3A_343 = arith.addi %mul3A_341, %add3A_342 : i32
      %swap3A_344 = arith.index_cast %add3A_343 : i32 to index
      %swap3A_345 = arith.constant 64 : index
      %swap3A_346 = tpu.vector_load %arg6[%swap3A_344, %swap3A_345] {strides = array<i32>} : memref<200x128xf32, #tpu.memory_space<vmem>>, vector<16xf32>,
      tpu.vector_store %arg6[%swap3A_344, %swap3A_345], %broadcast_in_dim3A_8 {strides = array<i32>} : memref<200x128xf32, #tpu.memory_space<vmem>>, vector<16xf32>,
      %mul3A_347 = arith.constant 4 : i32
      %mul3A_348 = arith.muli %mul3A_347, %scan3A_256 : i32
      %add3A_349 = arith.constant 1 : i32
      %add3A_350 = arith.addi %mul3A_348, %add3A_349 : i32
      %swap3A_351 = arith.index_cast %add3A_350 : i32 to index
      %swap3A_352 = arith.constant 80 : index
      %swap3A_353 = tpu.vector_load %arg6[%swap3A_351, %swap3A_352] {strides = array<i32>} : memref<200x128xf32, #tpu.memory_space<vmem>>, vector<16xf32>,
      tpu.vector_store %arg6[%swap3A_351, %swap3A_352], %broadcast_in_dim3A_8 {strides = array<i32>} : memref<200x128xf32, #tpu.memory_space<vmem>>, vector<16xf32>,
      %mul3A_354 = arith.constant 4 : i32
      %mul3A_355 = arith.muli %mul3A_354, %scan3A_256 : i32
      %add3A_356 = arith.constant 1 : i32
      %add3A_357 = arith.addi %mul3A_355, %add3A_356 : i32
      %swap3A_358 = arith.index_cast %add3A_357 : i32 to index
      %swap3A_359 = arith.constant 96 : index
      %swap3A_360 = tpu.vector_load %arg6[%swap3A_358, %swap3A_359] {strides = array<i32>} : memref<200x128xf32, #tpu.memory_space<vmem>>, vector<16xf32>,
      tpu.vector_store %arg6[%swap3A_358, %swap3A_359], %broadcast_in_dim3A_8 {strides = array<i32>} : memref<200x128xf32, #tpu.memory_space<vmem>>, vector<16xf32>,
      %mul3A_361 = arith.constant 4 : i32
      %mul3A_362 = arith.muli %mul3A_361, %scan3A_256 : i32
      %add3A_363 = arith.constant 1 : i32
      %add3A_364 = arith.addi %mul3A_362, %add3A_363 : i32
      %swap3A_365 = arith.index_cast %add3A_364 : i32 to index
      %swap3A_366 = arith.constant 112 : index
      %swap3A_367 = tpu.vector_load %arg6[%swap3A_365, %swap3A_366] {strides = array<i32>} : memref<200x128xf32, #tpu.memory_space<vmem>>, vector<16xf32>,
      tpu.vector_store %arg6[%swap3A_365, %swap3A_366], %broadcast_in_dim3A_8 {strides = array<i32>} : memref<200x128xf32, #tpu.memory_space<vmem>>, vector<16xf32>,
      %mul3A_368 = arith.constant 4 : i32
      %mul3A_369 = arith.muli %mul3A_368, %scan3A_256 : i32
      %add3A_370 = arith.constant 2 : i32
      %add3A_371 = arith.addi %mul3A_369, %add3A_370 : i32
      %swap3A_372 = arith.index_cast %add3A_371 : i32 to index
      %swap3A_373 = arith.constant 0 : index
      %swap3A_374 = tpu.vector_load %arg6[%swap3A_372, %swap3A_373] {strides = array<i32>} : memref<200x128xf32, #tpu.memory_space<vmem>>, vector<16xf32>,
      tpu.vector_store %arg6[%swap3A_372, %swap3A_373], %broadcast_in_dim3A_8 {strides = array<i32>} : memref<200x128xf32, #tpu.memory_space<vmem>>, vector<16xf32>,
      %mul3A_375 = arith.constant 4 : i32
      %mul3A_376 = arith.muli %mul3A_375, %scan3A_256 : i32
      %add3A_377 = arith.constant 2 : i32
      %add3A_378 = arith.addi %mul3A_376, %add3A_377 : i32
      %swap3A_379 = arith.index_cast %add3A_378 : i32 to index
      %swap3A_380 = arith.constant 16 : index
      %swap3A_381 = tpu.vector_load %arg6[%swap3A_379, %swap3A_380] {strides = array<i32>} : memref<200x128xf32, #tpu.memory_space<vmem>>, vector<16xf32>,
      tpu.vector_store %arg6[%swap3A_379, %swap3A_380], %broadcast_in_dim3A_8 {strides = array<i32>} : memref<200x128xf32, #tpu.memory_space<vmem>>, vector<16xf32>,
      %mul3A_382 = arith.constant 4 : i32
      %mul3A_383 = arith.muli %mul3A_382, %scan3A_256 : i32
      %add3A_384 = arith.constant 2 : i32
      %add3A_385 = arith.addi %mul3A_383, %add3A_384 : i32
      %swap3A_386 = arith.index_cast %add3A_385 : i32 to index
      %swap3A_387 = arith.constant 32 : index
      %swap3A_388 = tpu.vector_load %arg6[%swap3A_386, %swap3A_387] {strides = array<i32>} : memref<200x128xf32, #tpu.memory_space<vmem>>, vector<16xf32>,
      tpu.vector_store %arg6[%swap3A_386, %swap3A_387], %broadcast_in_dim3A_8 {strides = array<i32>} : memref<200x128xf32, #tpu.memory_space<vmem>>, vector<16xf32>,
      %mul3A_389 = arith.constant 4 : i32
      %mul3A_390 = arith.muli %mul3A_389, %scan3A_256 : i32
      %add3A_391 = arith.constant 2 : i32
      %add3A_392 = arith.addi %mul3A_390, %add3A_391 : i32
      %swap3A_393 = arith.index_cast %add3A_392 : i32 to index
      %swap3A_394 = arith.constant 48 : index
      %swap3A_395 = tpu.vector_load %arg6[%swap3A_393, %swap3A_394] {strides = array<i32>} : memref<200x128xf32, #tpu.memory_space<vmem>>, vector<16xf32>,
      tpu.vector_store %arg6[%swap3A_393, %swap3A_394], %broadcast_in_dim3A_8 {strides = array<i32>} : memref<200x128xf32, #tpu.memory_space<vmem>>, vector<16xf32>,
      %mul3A_396 = arith.constant 4 : i32
      %mul3A_397 = arith.muli %mul3A_396, %scan3A_256 : i32
      %add3A_398 = arith.constant 2 : i32
      %add3A_399 = arith.addi %mul3A_397, %add3A_398 : i32
      %swap3A_400 = arith.index_cast %add3A_399 : i32 to index
      %swap3A_401 = arith.constant 64 : index
      %swap3A_402 = tpu.vector_load %arg6[%swap3A_400, %swap3A_401] {strides = array<i32>} : memref<200x128xf32, #tpu.memory_space<vmem>>, vector<16xf32>,
      tpu.vector_store %arg6[%swap3A_400, %swap3A_401], %broadcast_in_dim3A_8 {strides = array<i32>} : memref<200x128xf32, #tpu.memory_space<vmem>>, vector<16xf32>,
      %mul3A_403 = arith.constant 4 : i32
      %mul3A_404 = arith.muli %mul3A_403, %scan3A_256 : i32
      %add3A_405 = arith.constant 2 : i32
      %add3A_406 = arith.addi %mul3A_404, %add3A_405 : i32
      %swap3A_407 = arith.index_cast %add3A_406 : i32 to index
      %swap3A_408 = arith.constant 80 : index
      %swap3A_409 = tpu.vector_load %arg6[%swap3A_407, %swap3A_408] {strides = array<i32>} : memref<200x128xf32, #tpu.memory_space<vmem>>, vector<16xf32>,
      tpu.vector_store %arg6[%swap3A_407, %swap3A_408], %broadcast_in_dim3A_8 {strides = array<i32>} : memref<200x128xf32, #tpu.memory_space<vmem>>, vector<16xf32>,
      %mul3A_410 = arith.constant 4 : i32
      %mul3A_411 = arith.muli %mul3A_410, %scan3A_256 : i32
      %add3A_412 = arith.constant 2 : i32
      %add3A_413 = arith.addi %mul3A_411, %add3A_412 : i32
      %swap3A_414 = arith.index_cast %add3A_413 : i32 to index
      %swap3A_415 = arith.constant 96 : index
      %swap3A_416 = tpu.vector_load %arg6[%swap3A_414, %swap3A_415] {strides = array<i32>} : memref<200x128xf32, #tpu.memory_space<vmem>>, vector<16xf32>,
      tpu.vector_store %arg6[%swap3A_414, %swap3A_415], %broadcast_in_dim3A_8 {strides = array<i32>} : memref<200x128xf32, #tpu.memory_space<vmem>>, vector<16xf32>,
      %mul3A_417 = arith.constant 4 : i32
      %mul3A_418 = arith.muli %mul3A_417, %scan3A_256 : i32
      %add3A_419 = arith.constant 2 : i32
      %add3A_420 = arith.addi %mul3A_418, %add3A_419 : i32
      %swap3A_421 = arith.index_cast %add3A_420 : i32 to index
      %swap3A_422 = arith.constant 112 : index
      %swap3A_423 = tpu.vector_load %arg6[%swap3A_421, %swap3A_422] {strides = array<i32>} : memref<200x128xf32, #tpu.memory_space<vmem>>, vector<16xf32>,
      tpu.vector_store %arg6[%swap3A_421, %swap3A_422], %broadcast_in_dim3A_8 {strides = array<i32>} : memref<200x128xf32, #tpu.memory_space<vmem>>, vector<16xf32>,
      %mul3A_424 = arith.constant 4 : i32
      %mul3A_425 = arith.muli %mul3A_424, %scan3A_256 : i32
      %add3A_426 = arith.constant 3 : i32
      %add3A_427 = arith.addi %mul3A_425, %add3A_426 : i32
      %swap3A_428 = arith.index_cast %add3A_427 : i32 to index
      %swap3A_429 = arith.constant 0 : index
      %swap3A_430 = tpu.vector_load %arg6[%swap3A_428, %swap3A_429] {strides = array<i32>} : memref<200x128xf32, #tpu.memory_space<vmem>>, vector<16xf32>,
      tpu.vector_store %arg6[%swap3A_428, %swap3A_429], %broadcast_in_dim3A_8 {strides = array<i32>} : memref<200x128xf32, #tpu.memory_space<vmem>>, vector<16xf32>,
      %mul3A_431 = arith.constant 4 : i32
      %mul3A_432 = arith.muli %mul3A_431, %scan3A_256 : i32
      %add3A_433 = arith.constant 3 : i32
      %add3A_434 = arith.addi %mul3A_432, %add3A_433 : i32
      %swap3A_435 = arith.index_cast %add3A_434 : i32 to index
      %swap3A_436 = arith.constant 16 : index
      %swap3A_437 = tpu.vector_load %arg6[%swap3A_435, %swap3A_436] {strides = array<i32>} : memref<200x128xf32, #tpu.memory_space<vmem>>, vector<16xf32>,
      tpu.vector_store %arg6[%swap3A_435, %swap3A_436], %broadcast_in_dim3A_8 {strides = array<i32>} : memref<200x128xf32, #tpu.memory_space<vmem>>, vector<16xf32>,
      %mul3A_438 = arith.constant 4 : i32
      %mul3A_439 = arith.muli %mul3A_438, %scan3A_256 : i32
      %add3A_440 = arith.constant 3 : i32
      %add3A_441 = arith.addi %mul3A_439, %add3A_440 : i32
      %swap3A_442 = arith.index_cast %add3A_441 : i32 to index
      %swap3A_443 = arith.constant 32 : index
      %swap3A_444 = tpu.vector_load %arg6[%swap3A_442, %swap3A_443] {strides = array<i32>} : memref<200x128xf32, #tpu.memory_space<vmem>>, vector<16xf32>,
      tpu.vector_store %arg6[%swap3A_442, %swap3A_443], %broadcast_in_dim3A_8 {strides = array<i32>} : memref<200x128xf32, #tpu.memory_space<vmem>>, vector<16xf32>,
      %mul3A_445 = arith.constant 4 : i32
      %mul3A_446 = arith.muli %mul3A_445, %scan3A_256 : i32
      %add3A_447 = arith.constant 3 : i32
      %add3A_448 = arith.addi %mul3A_446, %add3A_447 : i32
      %swap3A_449 = arith.index_cast %add3A_448 : i32 to index
      %swap3A_450 = arith.constant 48 : index
      %swap3A_451 = tpu.vector_load %arg6[%swap3A_449, %swap3A_450] {strides = array<i32>} : memref<200x128xf32, #tpu.memory_space<vmem>>, vector<16xf32>,
      tpu.vector_store %arg6[%swap3A_449, %swap3A_450], %broadcast_in_dim3A_8 {strides = array<i32>} : memref<200x128xf32, #tpu.memory_space<vmem>>, vector<16xf32>,
      %mul3A_452 = arith.constant 4 : i32
      %mul3A_453 = arith.muli %mul3A_452, %scan3A_256 : i32
      %add3A_454 = arith.constant 3 : i32
      %add3A_455 = arith.addi %mul3A_453, %add3A_454 : i32
      %swap3A_456 = arith.index_cast %add3A_455 : i32 to index
      %swap3A_457 = arith.constant 64 : index
      %swap3A_458 = tpu.vector_load %arg6[%swap3A_456, %swap3A_457] {strides = array<i32>} : memref<200x128xf32, #tpu.memory_space<vmem>>, vector<16xf32>,
      tpu.vector_store %arg6[%swap3A_456, %swap3A_457], %broadcast_in_dim3A_8 {strides = array<i32>} : memref<200x128xf32, #tpu.memory_space<vmem>>, vector<16xf32>,
      %mul3A_459 = arith.constant 4 : i32
      %mul3A_460 = arith.muli %mul3A_459, %scan3A_256 : i32
      %add3A_461 = arith.constant 3 : i32
      %add3A_462 = arith.addi %mul3A_460, %add3A_461 : i32
      %swap3A_463 = arith.index_cast %add3A_462 : i32 to index
      %swap3A_464 = arith.constant 80 : index
      %swap3A_465 = tpu.vector_load %arg6[%swap3A_463, %swap3A_464] {strides = array<i32>} : memref<200x128xf32, #tpu.memory_space<vmem>>, vector<16xf32>,
      tpu.vector_store %arg6[%swap3A_463, %swap3A_464], %broadcast_in_dim3A_8 {strides = array<i32>} : memref<200x128xf32, #tpu.memory_space<vmem>>, vector<16xf32>,
      %mul3A_466 = arith.constant 4 : i32
      %mul3A_467 = arith.muli %mul3A_466, %scan3A_256 : i32
      %add3A_468 = arith.constant 3 : i32
      %add3A_469 = arith.addi %mul3A_467, %add3A_468 : i32
      %swap3A_470 = arith.index_cast %add3A_469 : i32 to index
      %swap3A_471 = arith.constant 96 : index
      %swap3A_472 = tpu.vector_load %arg6[%swap3A_470, %swap3A_471] {strides = array<i32>} : memref<200x128xf32, #tpu.memory_space<vmem>>, vector<16xf32>,
      tpu.vector_store %arg6[%swap3A_470, %swap3A_471], %broadcast_in_dim3A_8 {strides = array<i32>} : memref<200x128xf32, #tpu.memory_space<vmem>>, vector<16xf32>,
      %mul3A_473 = arith.constant 4 : i32
      %mul3A_474 = arith.muli %mul3A_473, %scan3A_256 : i32
      %add3A_475 = arith.constant 3 : i32
      %add3A_476 = arith.addi %mul3A_474, %add3A_475 : i32
      %swap3A_477 = arith.index_cast %add3A_476 : i32 to index
      %swap3A_478 = arith.constant 112 : index
      %swap3A_479 = tpu.vector_load %arg6[%swap3A_477, %swap3A_478] {strides = array<i32>} : memref<200x128xf32, #tpu.memory_space<vmem>>, vector<16xf32>,
      tpu.vector_store %arg6[%swap3A_477, %swap3A_478], %broadcast_in_dim3A_8 {strides = array<i32>} : memref<200x128xf32, #tpu.memory_space<vmem>>, vector<16xf32>,
    }
    %scan3A_122 = arith.constant 50 : i32
    %get3A_123 = arith.constant 1 : i32
    %get3A_124 = arith.index_cast %get3A_123 : i32 to index
    %get3A_125 = arith.constant 0 : index
    %get3A_126 = tpu.vector_load %arg4[%get3A_124, %get3A_125] {strides = array<i32>} : memref<32x200xi32, #tpu.memory_space<vmem>>, vector<16xi32>,
    %add3A_127 = arith.constant 0 : i32
    %add3A_128 = vector.broadcast %add3A_127 : i32 to vector<16xi32>
    %add3A_129 = arith.addi %add3A_128, %iota3A : vector<16xi32>
    tpu.vector_store_idx %arg6[%add3A_129, %get3A_126], %broadcast_in_dim3A_6 : memref<200x128xf32, #tpu.memory_space<vmem>>[vector<16xi32>, vector<16xi32>], vector<16xf32>,
    %get3A_130 = arith.constant 1 : i32
    %get3A_131 = arith.index_cast %get3A_130 : i32 to index
    %get3A_132 = arith.constant 16 : index
    %get3A_133 = tpu.vector_load %arg4[%get3A_131, %get3A_132] {strides = array<i32>} : memref<32x200xi32, #tpu.memory_space<vmem>>, vector<16xi32>,
    %add3A_134 = arith.constant 16 : i32
    %add3A_135 = vector.broadcast %add3A_134 : i32 to vector<16xi32>
    %add3A_136 = arith.addi %add3A_135, %iota3A : vector<16xi32>
    tpu.vector_store_idx %arg6[%add3A_136, %get3A_133], %broadcast_in_dim3A_6 : memref<200x128xf32, #tpu.memory_space<vmem>>[vector<16xi32>, vector<16xi32>], vector<16xf32>,
    %get3A_137 = arith.constant 1 : i32
    %get3A_138 = arith.index_cast %get3A_137 : i32 to index
    %get3A_139 = arith.constant 32 : index
    %get3A_140 = tpu.vector_load %arg4[%get3A_138, %get3A_139] {strides = array<i32>} : memref<32x200xi32, #tpu.memory_space<vmem>>, vector<16xi32>,
    %add3A_141 = arith.constant 32 : i32
    %add3A_142 = vector.broadcast %add3A_141 : i32 to vector<16xi32>
    %add3A_143 = arith.addi %add3A_142, %iota3A : vector<16xi32>
    tpu.vector_store_idx %arg6[%add3A_143, %get3A_140], %broadcast_in_dim3A_6 : memref<200x128xf32, #tpu.memory_space<vmem>>[vector<16xi32>, vector<16xi32>], vector<16xf32>,
    %get3A_144 = arith.constant 1 : i32
    %get3A_145 = arith.index_cast %get3A_144 : i32 to index
    %get3A_146 = arith.constant 48 : index
    %get3A_147 = tpu.vector_load %arg4[%get3A_145, %get3A_146] {strides = array<i32>} : memref<32x200xi32, #tpu.memory_space<vmem>>, vector<16xi32>,
    %add3A_148 = arith.constant 48 : i32
    %add3A_149 = vector.broadcast %add3A_148 : i32 to vector<16xi32>
    %add3A_150 = arith.addi %add3A_149, %iota3A : vector<16xi32>
    tpu.vector_store_idx %arg6[%add3A_150, %get3A_147], %broadcast_in_dim3A_6 : memref<200x128xf32, #tpu.memory_space<vmem>>[vector<16xi32>, vector<16xi32>], vector<16xf32>,
    %get3A_151 = arith.constant 1 : i32
    %get3A_152 = arith.index_cast %get3A_151 : i32 to index
    %get3A_153 = arith.constant 64 : index
    %get3A_154 = tpu.vector_load %arg4[%get3A_152, %get3A_153] {strides = array<i32>} : memref<32x200xi32, #tpu.memory_space<vmem>>, vector<16xi32>,
    %add3A_155 = arith.constant 64 : i32
    %add3A_156 = vector.broadcast %add3A_155 : i32 to vector<16xi32>
    %add3A_157 = arith.addi %add3A_156, %iota3A : vector<16xi32>
    tpu.vector_store_idx %arg6[%add3A_157, %get3A_154], %broadcast_in_dim3A_6 : memref<200x128xf32, #tpu.memory_space<vmem>>[vector<16xi32>, vector<16xi32>], vector<16xf32>,
    %get3A_158 = arith.constant 1 : i32
    %get3A_159 = arith.index_cast %get3A_158 : i32 to index
    %get3A_160 = arith.constant 80 : index
    %get3A_161 = tpu.vector_load %arg4[%get3A_159, %get3A_160] {strides = array<i32>} : memref<32x200xi32, #tpu.memory_space<vmem>>, vector<16xi32>,
    %add3A_162 = arith.constant 80 : i32
    %add3A_163 = vector.broadcast %add3A_162 : i32 to vector<16xi32>
    %add3A_164 = arith.addi %add3A_163, %iota3A : vector<16xi32>
    tpu.vector_store_idx %arg6[%add3A_164, %get3A_161], %broadcast_in_dim3A_6 : memref<200x128xf32, #tpu.memory_space<vmem>>[vector<16xi32>, vector<16xi32>], vector<16xf32>,
    %get3A_165 = arith.constant 1 : i32
    %get3A_166 = arith.index_cast %get3A_165 : i32 to index
    %get3A_167 = arith.constant 96 : index
    %get3A_168 = tpu.vector_load %arg4[%get3A_166, %get3A_167] {strides = array<i32>} : memref<32x200xi32, #tpu.memory_space<vmem>>, vector<16xi32>,
    %add3A_169 = arith.constant 96 : i32
    %add3A_170 = vector.broadcast %add3A_169 : i32 to vector<16xi32>
    %add3A_171 = arith.addi %add3A_170, %iota3A : vector<16xi32>
    tpu.vector_store_idx %arg6[%add3A_171, %get3A_168], %broadcast_in_dim3A_6 : memref<200x128xf32, #tpu.memory_space<vmem>>[vector<16xi32>, vector<16xi32>], vector<16xf32>,
    %get3A_172 = arith.constant 1 : i32
    %get3A_173 = arith.index_cast %get3A_172 : i32 to index
    %get3A_174 = arith.constant 112 : index
    %get3A_175 = tpu.vector_load %arg4[%get3A_173, %get3A_174] {strides = array<i32>} : memref<32x200xi32, #tpu.memory_space<vmem>>, vector<16xi32>,
    %add3A_176 = arith.constant 112 : i32
    %add3A_177 = vector.broadcast %add3A_176 : i32 to vector<16xi32>
    %add3A_178 = arith.addi %add3A_177, %iota3A : vector<16xi32>
    tpu.vector_store_idx %arg6[%add3A_178, %get3A_175], %broadcast_in_dim3A_6 : memref<200x128xf32, #tpu.memory_space<vmem>>[vector<16xi32>, vector<16xi32>], vector<16xf32>,
    %get3A_179 = arith.constant 1 : i32
    %get3A_180 = arith.index_cast %get3A_179 : i32 to index
    %get3A_181 = arith.constant 128 : index
    %get3A_182 = tpu.vector_load %arg4[%get3A_180, %get3A_181] {strides = array<i32>} : memref<32x200xi32, #tpu.memory_space<vmem>>, vector<16xi32>,
    %add3A_183 = arith.constant 128 : i32
    %add3A_184 = vector.broadcast %add3A_183 : i32 to vector<16xi32>
    %add3A_185 = arith.addi %add3A_184, %iota3A : vector<16xi32>
    tpu.vector_store_idx %arg6[%add3A_185, %get3A_182], %broadcast_in_dim3A_6 : memref<200x128xf32, #tpu.memory_space<vmem>>[vector<16xi32>, vector<16xi32>], vector<16xf32>,
    %get3A_186 = arith.constant 1 : i32
    %get3A_187 = arith.index_cast %get3A_186 : i32 to index
    %get3A_188 = arith.constant 144 : index
    %get3A_189 = tpu.vector_load %arg4[%get3A_187, %get3A_188] {strides = array<i32>} : memref<32x200xi32, #tpu.memory_space<vmem>>, vector<16xi32>,
    %add3A_190 = arith.constant 144 : i32
    %add3A_191 = vector.broadcast %add3A_190 : i32 to vector<16xi32>
    %add3A_192 = arith.addi %add3A_191, %iota3A : vector<16xi32>
    tpu.vector_store_idx %arg6[%add3A_192, %get3A_189], %broadcast_in_dim3A_6 : memref<200x128xf32, #tpu.memory_space<vmem>>[vector<16xi32>, vector<16xi32>], vector<16xf32>,
    %get3A_193 = arith.constant 1 : i32
    %get3A_194 = arith.index_cast %get3A_193 : i32 to index
    %get3A_195 = arith.constant 160 : index
    %get3A_196 = tpu.vector_load %arg4[%get3A_194, %get3A_195] {strides = array<i32>} : memref<32x200xi32, #tpu.memory_space<vmem>>, vector<16xi32>,
    %add3A_197 = arith.constant 160 : i32
    %add3A_198 = vector.broadcast %add3A_197 : i32 to vector<16xi32>
    %add3A_199 = arith.addi %add3A_198, %iota3A : vector<16xi32>
    tpu.vector_store_idx %arg6[%add3A_199, %get3A_196], %broadcast_in_dim3A_6 : memref<200x128xf32, #tpu.memory_space<vmem>>[vector<16xi32>, vector<16xi32>], vector<16xf32>,
    %get3A_200 = arith.constant 1 : i32
    %get3A_201 = arith.index_cast %get3A_200 : i32 to index
    %get3A_202 = arith.constant 176 : index
    %get3A_203 = tpu.vector_load %arg4[%get3A_201, %get3A_202] {strides = array<i32>} : memref<32x200xi32, #tpu.memory_space<vmem>>, vector<16xi32>,
    %add3A_204 = arith.constant 176 : i32
    %add3A_205 = vector.broadcast %add3A_204 : i32 to vector<16xi32>
    %add3A_206 = arith.addi %add3A_205, %iota3A : vector<16xi32>
    tpu.vector_store_idx %arg6[%add3A_206, %get3A_203], %broadcast_in_dim3A_6 : memref<200x128xf32, #tpu.memory_space<vmem>>[vector<16xi32>, vector<16xi32>], vector<16xf32>,
    %get3A_207 = arith.constant 1 : i32
    %get3A_208 = arith.index_cast %get3A_207 : i32 to index
    %get3A_209 = arith.constant 184 : index
    %get3A_210 = tpu.vector_load %arg4[%get3A_208, %get3A_209] {strides = array<i32>} : memref<32x200xi32, #tpu.memory_space<vmem>>, vector<16xi32>,
    %add3A_211 = arith.constant 184 : i32
    %add3A_212 = vector.broadcast %add3A_211 : i32 to vector<16xi32>
    %add3A_213 = arith.addi %add3A_212, %iota3A : vector<16xi32>
    %ge3A_214 = arith.constant 8 : i32
    %ge3A_215 = vector.broadcast %ge3A_214 : i32 to vector<16xi32>
    %ge3A_216 = arith.cmpi sge, %iota3A, %ge3A_215 : vector<16xi32>
    tpu.vector_store_idx %arg6[%add3A_213, %get3A_210], %broadcast_in_dim3A_6 masked %ge3A_216 : memref<200x128xf32, #tpu.memory_space<vmem>>[vector<16xi32>, vector<16xi32>], vector<16xf32>, vector<16xi1>
    %add3A_217 = arith.constant 1 : i32
    %add3A_218 = arith.addi %mul3A_2, %add3A_217 : i32
    %dma_start3A_219 = arith.constant 0 : i32
    %dma_start3A_220 = arith.constant 0 : i32
    %dma_start3A_221 = tpu.memref_slice %arg3[%add3A_218, %dma_start3A_219, %dma_start3A_220] : memref<1024x200x128xf32, #tpu.memory_space<hbm>> -> memref<1x200x128xf32, #tpu.memory_space<hbm>>
    %dma_start3A_222 = tpu.memref_squeeze %dma_start3A_221 : memref<1x200x128xf32, #tpu.memory_space<hbm>> -> memref<200x128xf32, #tpu.memory_space<hbm>>
    %dma_start3A_223 = arith.constant 0 : i32
    %dma_start3A_224 = arith.constant 0 : i32
    %dma_start3A_225 = tpu.memref_slice %arg3[%add3A_218, %dma_start3A_223, %dma_start3A_224] : memref<1024x200x128xf32, #tpu.memory_space<hbm>> -> memref<1x200x128xf32, #tpu.memory_space<hbm>>
    %dma_start3A_226 = tpu.memref_squeeze %dma_start3A_225 : memref<1x200x128xf32, #tpu.memory_space<hbm>> -> memref<200x128xf32, #tpu.memory_space<hbm>>
    tpu.enqueue_dma source(%arg6 : memref<200x128xf32, #tpu.memory_space<vmem>>) target(%dma_start3A_226 : memref<200x128xf32, #tpu.memory_space<hbm>>) target_semaphore(%arg8 : memref<!tpu.dma_semaphore, #tpu.memory_space<semaphore_mem>>)
    %scan3A_227 = arith.constant 0 : i32
    %scan3A_228 = arith.constant 1 : i32
    %scan3A_229 = arith.constant 15 : i32
    %scan3A_230 = arith.addi %scan3A_228, %scan3A_229 : i32
    %scan3A_231 = arith.constant 1 : i32
    scf.for %scan3A_256 = %scan3A_228 to %scan3A_230 step %scan3A_231  : i32 {
      %mul3A_257 = arith.constant 2 : i32
      %mul3A_258 = arith.muli %mul3A_257, %scan3A_256 : i32
      %add3A_259 = arith.constant 0 : i32
      %add3A_260 = arith.addi %mul3A_258, %add3A_259 : i32
      %add3A_261 = arith.addi %mul3A_2, %add3A_260 : i32
      %sub3A_262 = arith.constant 2 : i32
      %sub3A_263 = arith.subi %add3A_261, %sub3A_262 : i32
      %dma_wait3A_264 = arith.constant 0 : i32
      %dma_wait3A_265 = arith.constant 0 : i32
      %dma_wait3A_266 = tpu.memref_slice %arg3[%sub3A_263, %dma_wait3A_264, %dma_wait3A_265] : memref<1024x200x128xf32, #tpu.memory_space<hbm>> -> memref<1x200x128xf32, #tpu.memory_space<hbm>>
      %dma_wait3A_267 = tpu.memref_squeeze %dma_wait3A_266 : memref<1x200x128xf32, #tpu.memory_space<hbm>> -> memref<200x128xf32, #tpu.memory_space<hbm>>
      %dma_wait3A_268 = arith.constant 0 : i32
      %dma_wait3A_269 = arith.constant 0 : i32
      %dma_wait3A_270 = tpu.memref_slice %arg3[%sub3A_263, %dma_wait3A_268, %dma_wait3A_269] : memref<1024x200x128xf32, #tpu.memory_space<hbm>> -> memref<1x200x128xf32, #tpu.memory_space<hbm>>
      %dma_wait3A_271 = tpu.memref_squeeze %dma_wait3A_270 : memref<1x200x128xf32, #tpu.memory_space<hbm>> -> memref<200x128xf32, #tpu.memory_space<hbm>>
      tpu.wait_dma2 semaphore(%arg7 : memref<!tpu.dma_semaphore, #tpu.memory_space<semaphore_mem>>) src(%arg5 : memref<200x128xf32, #tpu.memory_space<vmem>>) dst(%dma_wait3A_271 : memref<200x128xf32, #tpu.memory_space<hbm>>)
      %sub3A_272 = arith.constant 2 : i32
      %sub3A_273 = arith.subi %add3A_260, %sub3A_272 : i32
      %get3A_274 = arith.index_cast %sub3A_273 : i32 to index
      %get3A_275 = arith.constant 0 : index
      %get3A_276 = tpu.vector_load %arg4[%get3A_274, %get3A_275] {strides = array<i32>} : memref<32x200xi32, #tpu.memory_space<vmem>>, vector<16xi32>,
      %add3A_277 = arith.constant 0 : i32
      %add3A_278 = vector.broadcast %add3A_277 : i32 to vector<16xi32>
      %add3A_279 = arith.addi %add3A_278, %iota3A : vector<16xi32>
      tpu.vector_store_idx %arg5[%add3A_279, %get3A_276], %broadcast_in_dim3A_8 : memref<200x128xf32, #tpu.memory_space<vmem>>[vector<16xi32>, vector<16xi32>], vector<16xf32>,
      %get3A_280 = arith.index_cast %sub3A_273 : i32 to index
      %get3A_281 = arith.constant 16 : index
      %get3A_282 = tpu.vector_load %arg4[%get3A_280, %get3A_281] {strides = array<i32>} : memref<32x200xi32, #tpu.memory_space<vmem>>, vector<16xi32>,
      %add3A_283 = arith.constant 16 : i32
      %add3A_284 = vector.broadcast %add3A_283 : i32 to vector<16xi32>
      %add3A_285 = arith.addi %add3A_284, %iota3A : vector<16xi32>
      tpu.vector_store_idx %arg5[%add3A_285, %get3A_282], %broadcast_in_dim3A_8 : memref<200x128xf32, #tpu.memory_space<vmem>>[vector<16xi32>, vector<16xi32>], vector<16xf32>,
      %get3A_286 = arith.index_cast %sub3A_273 : i32 to index
      %get3A_287 = arith.constant 32 : index
      %get3A_288 = tpu.vector_load %arg4[%get3A_286, %get3A_287] {strides = array<i32>} : memref<32x200xi32, #tpu.memory_space<vmem>>, vector<16xi32>,
      %add3A_289 = arith.constant 32 : i32
      %add3A_290 = vector.broadcast %add3A_289 : i32 to vector<16xi32>
      %add3A_291 = arith.addi %add3A_290, %iota3A : vector<16xi32>
      tpu.vector_store_idx %arg5[%add3A_291, %get3A_288], %broadcast_in_dim3A_8 : memref<200x128xf32, #tpu.memory_space<vmem>>[vector<16xi32>, vector<16xi32>], vector<16xf32>,
      %get3A_292 = arith.index_cast %sub3A_273 : i32 to index
      %get3A_293 = arith.constant 48 : index
      %get3A_294 = tpu.vector_load %arg4[%get3A_292, %get3A_293] {strides = array<i32>} : memref<32x200xi32, #tpu.memory_space<vmem>>, vector<16xi32>,
      %add3A_295 = arith.constant 48 : i32
      %add3A_296 = vector.broadcast %add3A_295 : i32 to vector<16xi32>
      %add3A_297 = arith.addi %add3A_296, %iota3A : vector<16xi32>
      tpu.vector_store_idx %arg5[%add3A_297, %get3A_294], %broadcast_in_dim3A_8 : memref<200x128xf32, #tpu.memory_space<vmem>>[vector<16xi32>, vector<16xi32>], vector<16xf32>,
      %get3A_298 = arith.index_cast %sub3A_273 : i32 to index
      %get3A_299 = arith.constant 64 : index
      %get3A_300 = tpu.vector_load %arg4[%get3A_298, %get3A_299] {strides = array<i32>} : memref<32x200xi32, #tpu.memory_space<vmem>>, vector<16xi32>,
      %add3A_301 = arith.constant 64 : i32
      %add3A_302 = vector.broadcast %add3A_301 : i32 to vector<16xi32>
      %add3A_303 = arith.addi %add3A_302, %iota3A : vector<16xi32>
      tpu.vector_store_idx %arg5[%add3A_303, %get3A_300], %broadcast_in_dim3A_8 : memref<200x128xf32, #tpu.memory_space<vmem>>[vector<16xi32>, vector<16xi32>], vector<16xf32>,
      %get3A_304 = arith.index_cast %sub3A_273 : i32 to index
      %get3A_305 = arith.constant 80 : index
      %get3A_306 = tpu.vector_load %arg4[%get3A_304, %get3A_305] {strides = array<i32>} : memref<32x200xi32, #tpu.memory_space<vmem>>, vector<16xi32>,
      %add3A_307 = arith.constant 80 : i32
      %add3A_308 = vector.broadcast %add3A_307 : i32 to vector<16xi32>
      %add3A_309 = arith.addi %add3A_308, %iota3A : vector<16xi32>
      tpu.vector_store_idx %arg5[%add3A_309, %get3A_306], %broadcast_in_dim3A_8 : memref<200x128xf32, #tpu.memory_space<vmem>>[vector<16xi32>, vector<16xi32>], vector<16xf32>,
      %get3A_310 = arith.index_cast %sub3A_273 : i32 to index
      %get3A_311 = arith.constant 96 : index
      %get3A_312 = tpu.vector_load %arg4[%get3A_310, %get3A_311] {strides = array<i32>} : memref<32x200xi32, #tpu.memory_space<vmem>>, vector<16xi32>,
      %add3A_313 = arith.constant 96 : i32
      %add3A_314 = vector.broadcast %add3A_313 : i32 to vector<16xi32>
      %add3A_315 = arith.addi %add3A_314, %iota3A : vector<16xi32>
      tpu.vector_store_idx %arg5[%add3A_315, %get3A_312], %broadcast_in_dim3A_8 : memref<200x128xf32, #tpu.memory_space<vmem>>[vector<16xi32>, vector<16xi32>], vector<16xf32>,
      %get3A_316 = arith.index_cast %sub3A_273 : i32 to index
      %get3A_317 = arith.constant 112 : index
      %get3A_318 = tpu.vector_load %arg4[%get3A_316, %get3A_317] {strides = array<i32>} : memref<32x200xi32, #tpu.memory_space<vmem>>, vector<16xi32>,
      %add3A_319 = arith.constant 112 : i32
      %add3A_320 = vector.broadcast %add3A_319 : i32 to vector<16xi32>
      %add3A_321 = arith.addi %add3A_320, %iota3A : vector<16xi32>
      tpu.vector_store_idx %arg5[%add3A_321, %get3A_318], %broadcast_in_dim3A_8 : memref<200x128xf32, #tpu.memory_space<vmem>>[vector<16xi32>, vector<16xi32>], vector<16xf32>,
      %get3A_322 = arith.index_cast %sub3A_273 : i32 to index
      %get3A_323 = arith.constant 128 : index
      %get3A_324 = tpu.vector_load %arg4[%get3A_322, %get3A_323] {strides = array<i32>} : memref<32x200xi32, #tpu.memory_space<vmem>>, vector<16xi32>,
      %add3A_325 = arith.constant 128 : i32
      %add3A_326 = vector.broadcast %add3A_325 : i32 to vector<16xi32>
      %add3A_327 = arith.addi %add3A_326, %iota3A : vector<16xi32>
      tpu.vector_store_idx %arg5[%add3A_327, %get3A_324], %broadcast_in_dim3A_8 : memref<200x128xf32, #tpu.memory_space<vmem>>[vector<16xi32>, vector<16xi32>], vector<16xf32>,
      %get3A_328 = arith.index_cast %sub3A_273 : i32 to index
      %get3A_329 = arith.constant 144 : index
      %get3A_330 = tpu.vector_load %arg4[%get3A_328, %get3A_329] {strides = array<i32>} : memref<32x200xi32, #tpu.memory_space<vmem>>, vector<16xi32>,
      %add3A_331 = arith.constant 144 : i32
      %add3A_332 = vector.broadcast %add3A_331 : i32 to vector<16xi32>
      %add3A_333 = arith.addi %add3A_332, %iota3A : vector<16xi32>
      tpu.vector_store_idx %arg5[%add3A_333, %get3A_330], %broadcast_in_dim3A_8 : memref<200x128xf32, #tpu.memory_space<vmem>>[vector<16xi32>, vector<16xi32>], vector<16xf32>,
      %get3A_334 = arith.index_cast %sub3A_273 : i32 to index
      %get3A_335 = arith.constant 160 : index
      %get3A_336 = tpu.vector_load %arg4[%get3A_334, %get3A_335] {strides = array<i32>} : memref<32x200xi32, #tpu.memory_space<vmem>>, vector<16xi32>,
      %add3A_337 = arith.constant 160 : i32
      %add3A_338 = vector.broadcast %add3A_337 : i32 to vector<16xi32>
      %add3A_339 = arith.addi %add3A_338, %iota3A : vector<16xi32>
      tpu.vector_store_idx %arg5[%add3A_339, %get3A_336], %broadcast_in_dim3A_8 : memref<200x128xf32, #tpu.memory_space<vmem>>[vector<16xi32>, vector<16xi32>], vector<16xf32>,
      %get3A_340 = arith.index_cast %sub3A_273 : i32 to index
      %get3A_341 = arith.constant 176 : index
      %get3A_342 = tpu.vector_load %arg4[%get3A_340, %get3A_341] {strides = array<i32>} : memref<32x200xi32, #tpu.memory_space<vmem>>, vector<16xi32>,
      %add3A_343 = arith.constant 176 : i32
      %add3A_344 = vector.broadcast %add3A_343 : i32 to vector<16xi32>
      %add3A_345 = arith.addi %add3A_344, %iota3A : vector<16xi32>
      tpu.vector_store_idx %arg5[%add3A_345, %get3A_342], %broadcast_in_dim3A_8 : memref<200x128xf32, #tpu.memory_space<vmem>>[vector<16xi32>, vector<16xi32>], vector<16xf32>,
      %get3A_346 = arith.index_cast %sub3A_273 : i32 to index
      %get3A_347 = arith.constant 184 : index
      %get3A_348 = tpu.vector_load %arg4[%get3A_346, %get3A_347] {strides = array<i32>} : memref<32x200xi32, #tpu.memory_space<vmem>>, vector<16xi32>,
      %add3A_349 = arith.constant 184 : i32
      %add3A_350 = vector.broadcast %add3A_349 : i32 to vector<16xi32>
      %add3A_351 = arith.addi %add3A_350, %iota3A : vector<16xi32>
      %ge3A_352 = arith.constant 8 : i32
      %ge3A_353 = vector.broadcast %ge3A_352 : i32 to vector<16xi32>
      %ge3A_354 = arith.cmpi sge, %iota3A, %ge3A_353 : vector<16xi32>
      tpu.vector_store_idx %arg5[%add3A_351, %get3A_348], %broadcast_in_dim3A_8 masked %ge3A_354 : memref<200x128xf32, #tpu.memory_space<vmem>>[vector<16xi32>, vector<16xi32>], vector<16xf32>, vector<16xi1>
      %get3A_355 = arith.index_cast %add3A_260 : i32 to index
      %get3A_356 = arith.constant 0 : index
      %get3A_357 = tpu.vector_load %arg4[%get3A_355, %get3A_356] {strides = array<i32>} : memref<32x200xi32, #tpu.memory_space<vmem>>, vector<16xi32>,
      %add3A_358 = arith.constant 0 : i32
      %add3A_359 = vector.broadcast %add3A_358 : i32 to vector<16xi32>
      %add3A_360 = arith.addi %add3A_359, %iota3A : vector<16xi32>
      tpu.vector_store_idx %arg5[%add3A_360, %get3A_357], %broadcast_in_dim3A_6 : memref<200x128xf32, #tpu.memory_space<vmem>>[vector<16xi32>, vector<16xi32>], vector<16xf32>,
      %get3A_361 = arith.index_cast %add3A_260 : i32 to index
      %get3A_362 = arith.constant 16 : index
      %get3A_363 = tpu.vector_load %arg4[%get3A_361, %get3A_362] {strides = array<i32>} : memref<32x200xi32, #tpu.memory_space<vmem>>, vector<16xi32>,
      %add3A_364 = arith.constant 16 : i32
      %add3A_365 = vector.broadcast %add3A_364 : i32 to vector<16xi32>
      %add3A_366 = arith.addi %add3A_365, %iota3A : vector<16xi32>
      tpu.vector_store_idx %arg5[%add3A_366, %get3A_363], %broadcast_in_dim3A_6 : memref<200x128xf32, #tpu.memory_space<vmem>>[vector<16xi32>, vector<16xi32>], vector<16xf32>,
      %get3A_367 = arith.index_cast %add3A_260 : i32 to index
      %get3A_368 = arith.constant 32 : index
      %get3A_369 = tpu.vector_load %arg4[%get3A_367, %get3A_368] {strides = array<i32>} : memref<32x200xi32, #tpu.memory_space<vmem>>, vector<16xi32>,
      %add3A_370 = arith.constant 32 : i32
      %add3A_371 = vector.broadcast %add3A_370 : i32 to vector<16xi32>
      %add3A_372 = arith.addi %add3A_371, %iota3A : vector<16xi32>
      tpu.vector_store_idx %arg5[%add3A_372, %get3A_369], %broadcast_in_dim3A_6 : memref<200x128xf32, #tpu.memory_space<vmem>>[vector<16xi32>, vector<16xi32>], vector<16xf32>,
      %get3A_373 = arith.index_cast %add3A_260 : i32 to index
      %get3A_374 = arith.constant 48 : index
      %get3A_375 = tpu.vector_load %arg4[%get3A_373, %get3A_374] {strides = array<i32>} : memref<32x200xi32, #tpu.memory_space<vmem>>, vector<16xi32>,
      %add3A_376 = arith.constant 48 : i32
      %add3A_377 = vector.broadcast %add3A_376 : i32 to vector<16xi32>
      %add3A_378 = arith.addi %add3A_377, %iota3A : vector<16xi32>
      tpu.vector_store_idx %arg5[%add3A_378, %get3A_375], %broadcast_in_dim3A_6 : memref<200x128xf32, #tpu.memory_space<vmem>>[vector<16xi32>, vector<16xi32>], vector<16xf32>,
      %get3A_379 = arith.index_cast %add3A_260 : i32 to index
      %get3A_380 = arith.constant 64 : index
      %get3A_381 = tpu.vector_load %arg4[%get3A_379, %get3A_380] {strides = array<i32>} : memref<32x200xi32, #tpu.memory_space<vmem>>, vector<16xi32>,
      %add3A_382 = arith.constant 64 : i32
      %add3A_383 = vector.broadcast %add3A_382 : i32 to vector<16xi32>
      %add3A_384 = arith.addi %add3A_383, %iota3A : vector<16xi32>
      tpu.vector_store_idx %arg5[%add3A_384, %get3A_381], %broadcast_in_dim3A_6 : memref<200x128xf32, #tpu.memory_space<vmem>>[vector<16xi32>, vector<16xi32>], vector<16xf32>,
      %get3A_385 = arith.index_cast %add3A_260 : i32 to index
      %get3A_386 = arith.constant 80 : index
      %get3A_387 = tpu.vector_load %arg4[%get3A_385, %get3A_386] {strides = array<i32>} : memref<32x200xi32, #tpu.memory_space<vmem>>, vector<16xi32>,
      %add3A_388 = arith.constant 80 : i32
      %add3A_389 = vector.broadcast %add3A_388 : i32 to vector<16xi32>
      %add3A_390 = arith.addi %add3A_389, %iota3A : vector<16xi32>
      tpu.vector_store_idx %arg5[%add3A_390, %get3A_387], %broadcast_in_dim3A_6 : memref<200x128xf32, #tpu.memory_space<vmem>>[vector<16xi32>, vector<16xi32>], vector<16xf32>,
      %get3A_391 = arith.index_cast %add3A_260 : i32 to index
      %get3A_392 = arith.constant 96 : index
      %get3A_393 = tpu.vector_load %arg4[%get3A_391, %get3A_392] {strides = array<i32>} : memref<32x200xi32, #tpu.memory_space<vmem>>, vector<16xi32>,
      %add3A_394 = arith.constant 96 : i32
      %add3A_395 = vector.broadcast %add3A_394 : i32 to vector<16xi32>
      %add3A_396 = arith.addi %add3A_395, %iota3A : vector<16xi32>
      tpu.vector_store_idx %arg5[%add3A_396, %get3A_393], %broadcast_in_dim3A_6 : memref<200x128xf32, #tpu.memory_space<vmem>>[vector<16xi32>, vector<16xi32>], vector<16xf32>,
      %get3A_397 = arith.index_cast %add3A_260 : i32 to index
      %get3A_398 = arith.constant 112 : index
      %get3A_399 = tpu.vector_load %arg4[%get3A_397, %get3A_398] {strides = array<i32>} : memref<32x200xi32, #tpu.memory_space<vmem>>, vector<16xi32>,
      %add3A_400 = arith.constant 112 : i32
      %add3A_401 = vector.broadcast %add3A_400 : i32 to vector<16xi32>
      %add3A_402 = arith.addi %add3A_401, %iota3A : vector<16xi32>
      tpu.vector_store_idx %arg5[%add3A_402, %get3A_399], %broadcast_in_dim3A_6 : memref<200x128xf32, #tpu.memory_space<vmem>>[vector<16xi32>, vector<16xi32>], vector<16xf32>,
      %get3A_403 = arith.index_cast %add3A_260 : i32 to index
      %get3A_404 = arith.constant 128 : index
      %get3A_405 = tpu.vector_load %arg4[%get3A_403, %get3A_404] {strides = array<i32>} : memref<32x200xi32, #tpu.memory_space<vmem>>, vector<16xi32>,
      %add3A_406 = arith.constant 128 : i32
      %add3A_407 = vector.broadcast %add3A_406 : i32 to vector<16xi32>
      %add3A_408 = arith.addi %add3A_407, %iota3A : vector<16xi32>
      tpu.vector_store_idx %arg5[%add3A_408, %get3A_405], %broadcast_in_dim3A_6 : memref<200x128xf32, #tpu.memory_space<vmem>>[vector<16xi32>, vector<16xi32>], vector<16xf32>,
      %get3A_409 = arith.index_cast %add3A_260 : i32 to index
      %get3A_410 = arith.constant 144 : index
      %get3A_411 = tpu.vector_load %arg4[%get3A_409, %get3A_410] {strides = array<i32>} : memref<32x200xi32, #tpu.memory_space<vmem>>, vector<16xi32>,
      %add3A_412 = arith.constant 144 : i32
      %add3A_413 = vector.broadcast %add3A_412 : i32 to vector<16xi32>
      %add3A_414 = arith.addi %add3A_413, %iota3A : vector<16xi32>
      tpu.vector_store_idx %arg5[%add3A_414, %get3A_411], %broadcast_in_dim3A_6 : memref<200x128xf32, #tpu.memory_space<vmem>>[vector<16xi32>, vector<16xi32>], vector<16xf32>,
      %get3A_415 = arith.index_cast %add3A_260 : i32 to index
      %get3A_416 = arith.constant 160 : index
      %get3A_417 = tpu.vector_load %arg4[%get3A_415, %get3A_416] {strides = array<i32>} : memref<32x200xi32, #tpu.memory_space<vmem>>, vector<16xi32>,
      %add3A_418 = arith.constant 160 : i32
      %add3A_419 = vector.broadcast %add3A_418 : i32 to vector<16xi32>
      %add3A_420 = arith.addi %add3A_419, %iota3A : vector<16xi32>
      tpu.vector_store_idx %arg5[%add3A_420, %get3A_417], %broadcast_in_dim3A_6 : memref<200x128xf32, #tpu.memory_space<vmem>>[vector<16xi32>, vector<16xi32>], vector<16xf32>,
      %get3A_421 = arith.index_cast %add3A_260 : i32 to index
      %get3A_422 = arith.constant 176 : index
      %get3A_423 = tpu.vector_load %arg4[%get3A_421, %get3A_422] {strides = array<i32>} : memref<32x200xi32, #tpu.memory_space<vmem>>, vector<16xi32>,
      %add3A_424 = arith.constant 176 : i32
      %add3A_425 = vector.broadcast %add3A_424 : i32 to vector<16xi32>
      %add3A_426 = arith.addi %add3A_425, %iota3A : vector<16xi32>
      tpu.vector_store_idx %arg5[%add3A_426, %get3A_423], %broadcast_in_dim3A_6 : memref<200x128xf32, #tpu.memory_space<vmem>>[vector<16xi32>, vector<16xi32>], vector<16xf32>,
      %get3A_427 = arith.index_cast %add3A_260 : i32 to index
      %get3A_428 = arith.constant 184 : index
      %get3A_429 = tpu.vector_load %arg4[%get3A_427, %get3A_428] {strides = array<i32>} : memref<32x200xi32, #tpu.memory_space<vmem>>, vector<16xi32>,
      %add3A_430 = arith.constant 184 : i32
      %add3A_431 = vector.broadcast %add3A_430 : i32 to vector<16xi32>
      %add3A_432 = arith.addi %add3A_431, %iota3A : vector<16xi32>
      %ge3A_433 = arith.constant 8 : i32
      %ge3A_434 = vector.broadcast %ge3A_433 : i32 to vector<16xi32>
      %ge3A_435 = arith.cmpi sge, %iota3A, %ge3A_434 : vector<16xi32>
      tpu.vector_store_idx %arg5[%add3A_432, %get3A_429], %broadcast_in_dim3A_6 masked %ge3A_435 : memref<200x128xf32, #tpu.memory_space<vmem>>[vector<16xi32>, vector<16xi32>], vector<16xf32>, vector<16xi1>
      %add3A_436 = arith.addi %mul3A_2, %add3A_260 : i32
      %dma_start3A_437 = arith.constant 0 : i32
      %dma_start3A_438 = arith.constant 0 : i32
      %dma_start3A_439 = tpu.memref_slice %arg3[%add3A_436, %dma_start3A_437, %dma_start3A_438] : memref<1024x200x128xf32, #tpu.memory_space<hbm>> -> memref<1x200x128xf32, #tpu.memory_space<hbm>>
      %dma_start3A_440 = tpu.memref_squeeze %dma_start3A_439 : memref<1x200x128xf32, #tpu.memory_space<hbm>> -> memref<200x128xf32, #tpu.memory_space<hbm>>
      %dma_start3A_441 = arith.constant 0 : i32
      %dma_start3A_442 = arith.constant 0 : i32
      %dma_start3A_443 = tpu.memref_slice %arg3[%add3A_436, %dma_start3A_441, %dma_start3A_442] : memref<1024x200x128xf32, #tpu.memory_space<hbm>> -> memref<1x200x128xf32, #tpu.memory_space<hbm>>
      %dma_start3A_444 = tpu.memref_squeeze %dma_start3A_443 : memref<1x200x128xf32, #tpu.memory_space<hbm>> -> memref<200x128xf32, #tpu.memory_space<hbm>>
      tpu.enqueue_dma source(%arg5 : memref<200x128xf32, #tpu.memory_space<vmem>>) target(%dma_start3A_444 : memref<200x128xf32, #tpu.memory_space<hbm>>) target_semaphore(%arg7 : memref<!tpu.dma_semaphore, #tpu.memory_space<semaphore_mem>>)
      %add3A_445 = arith.constant 1 : i32
      %add3A_446 = arith.addi %mul3A_258, %add3A_445 : i32
      %add3A_447 = arith.addi %mul3A_2, %add3A_446 : i32
      %sub3A_448 = arith.constant 2 : i32
      %sub3A_449 = arith.subi %add3A_447, %sub3A_448 : i32
      %dma_wait3A_450 = arith.constant 0 : i32
      %dma_wait3A_451 = arith.constant 0 : i32
      %dma_wait3A_452 = tpu.memref_slice %arg3[%sub3A_449, %dma_wait3A_450, %dma_wait3A_451] : memref<1024x200x128xf32, #tpu.memory_space<hbm>> -> memref<1x200x128xf32, #tpu.memory_space<hbm>>
      %dma_wait3A_453 = tpu.memref_squeeze %dma_wait3A_452 : memref<1x200x128xf32, #tpu.memory_space<hbm>> -> memref<200x128xf32, #tpu.memory_space<hbm>>
      %dma_wait3A_454 = arith.constant 0 : i32
      %dma_wait3A_455 = arith.constant 0 : i32
      %dma_wait3A_456 = tpu.memref_slice %arg3[%sub3A_449, %dma_wait3A_454, %dma_wait3A_455] : memref<1024x200x128xf32, #tpu.memory_space<hbm>> -> memref<1x200x128xf32, #tpu.memory_space<hbm>>
      %dma_wait3A_457 = tpu.memref_squeeze %dma_wait3A_456 : memref<1x200x128xf32, #tpu.memory_space<hbm>> -> memref<200x128xf32, #tpu.memory_space<hbm>>
      tpu.wait_dma2 semaphore(%arg8 : memref<!tpu.dma_semaphore, #tpu.memory_space<semaphore_mem>>) src(%arg6 : memref<200x128xf32, #tpu.memory_space<vmem>>) dst(%dma_wait3A_457 : memref<200x128xf32, #tpu.memory_space<hbm>>)
      %sub3A_458 = arith.constant 2 : i32
      %sub3A_459 = arith.subi %add3A_446, %sub3A_458 : i32
      %get3A_460 = arith.index_cast %sub3A_459 : i32 to index
      %get3A_461 = arith.constant 0 : index
      %get3A_462 = tpu.vector_load %arg4[%get3A_460, %get3A_461] {strides = array<i32>} : memref<32x200xi32, #tpu.memory_space<vmem>>, vector<16xi32>,
      %add3A_463 = arith.constant 0 : i32
      %add3A_464 = vector.broadcast %add3A_463 : i32 to vector<16xi32>
      %add3A_465 = arith.addi %add3A_464, %iota3A : vector<16xi32>
      tpu.vector_store_idx %arg6[%add3A_465, %get3A_462], %broadcast_in_dim3A_8 : memref<200x128xf32, #tpu.memory_space<vmem>>[vector<16xi32>, vector<16xi32>], vector<16xf32>,
      %get3A_466 = arith.index_cast %sub3A_459 : i32 to index
      %get3A_467 = arith.constant 16 : index
      %get3A_468 = tpu.vector_load %arg4[%get3A_466, %get3A_467] {strides = array<i32>} : memref<32x200xi32, #tpu.memory_space<vmem>>, vector<16xi32>,
      %add3A_469 = arith.constant 16 : i32
      %add3A_470 = vector.broadcast %add3A_469 : i32 to vector<16xi32>
      %add3A_471 = arith.addi %add3A_470, %iota3A : vector<16xi32>
      tpu.vector_store_idx %arg6[%add3A_471, %get3A_468], %broadcast_in_dim3A_8 : memref<200x128xf32, #tpu.memory_space<vmem>>[vector<16xi32>, vector<16xi32>], vector<16xf32>,
      %get3A_472 = arith.index_cast %sub3A_459 : i32 to index
      %get3A_473 = arith.constant 32 : index
      %get3A_474 = tpu.vector_load %arg4[%get3A_472, %get3A_473] {strides = array<i32>} : memref<32x200xi32, #tpu.memory_space<vmem>>, vector<16xi32>,
      %add3A_475 = arith.constant 32 : i32
      %add3A_476 = vector.broadcast %add3A_475 : i32 to vector<16xi32>
      %add3A_477 = arith.addi %add3A_476, %iota3A : vector<16xi32>
      tpu.vector_store_idx %arg6[%add3A_477, %get3A_474], %broadcast_in_dim3A_8 : memref<200x128xf32, #tpu.memory_space<vmem>>[vector<16xi32>, vector<16xi32>], vector<16xf32>,
      %get3A_478 = arith.index_cast %sub3A_459 : i32 to index
      %get3A_479 = arith.constant 48 : index
      %get3A_480 = tpu.vector_load %arg4[%get3A_478, %get3A_479] {strides = array<i32>} : memref<32x200xi32, #tpu.memory_space<vmem>>, vector<16xi32>,
      %add3A_481 = arith.constant 48 : i32
      %add3A_482 = vector.broadcast %add3A_481 : i32 to vector<16xi32>
      %add3A_483 = arith.addi %add3A_482, %iota3A : vector<16xi32>
      tpu.vector_store_idx %arg6[%add3A_483, %get3A_480], %broadcast_in_dim3A_8 : memref<200x128xf32, #tpu.memory_space<vmem>>[vector<16xi32>, vector<16xi32>], vector<16xf32>,
      %get3A_484 = arith.index_cast %sub3A_459 : i32 to index
      %get3A_485 = arith.constant 64 : index
      %get3A_486 = tpu.vector_load %arg4[%get3A_484, %get3A_485] {strides = array<i32>} : memref<32x200xi32, #tpu.memory_space<vmem>>, vector<16xi32>,
      %add3A_487 = arith.constant 64 : i32
      %add3A_488 = vector.broadcast %add3A_487 : i32 to vector<16xi32>
      %add3A_489 = arith.addi %add3A_488, %iota3A : vector<16xi32>
      tpu.vector_store_idx %arg6[%add3A_489, %get3A_486], %broadcast_in_dim3A_8 : memref<200x128xf32, #tpu.memory_space<vmem>>[vector<16xi32>, vector<16xi32>], vector<16xf32>,
      %get3A_490 = arith.index_cast %sub3A_459 : i32 to index
      %get3A_491 = arith.constant 80 : index
      %get3A_492 = tpu.vector_load %arg4[%get3A_490, %get3A_491] {strides = array<i32>} : memref<32x200xi32, #tpu.memory_space<vmem>>, vector<16xi32>,
      %add3A_493 = arith.constant 80 : i32
      %add3A_494 = vector.broadcast %add3A_493 : i32 to vector<16xi32>
      %add3A_495 = arith.addi %add3A_494, %iota3A : vector<16xi32>
      tpu.vector_store_idx %arg6[%add3A_495, %get3A_492], %broadcast_in_dim3A_8 : memref<200x128xf32, #tpu.memory_space<vmem>>[vector<16xi32>, vector<16xi32>], vector<16xf32>,
      %get3A_496 = arith.index_cast %sub3A_459 : i32 to index
      %get3A_497 = arith.constant 96 : index
      %get3A_498 = tpu.vector_load %arg4[%get3A_496, %get3A_497] {strides = array<i32>} : memref<32x200xi32, #tpu.memory_space<vmem>>, vector<16xi32>,
      %add3A_499 = arith.constant 96 : i32
      %add3A_500 = vector.broadcast %add3A_499 : i32 to vector<16xi32>
      %add3A_501 = arith.addi %add3A_500, %iota3A : vector<16xi32>
      tpu.vector_store_idx %arg6[%add3A_501, %get3A_498], %broadcast_in_dim3A_8 : memref<200x128xf32, #tpu.memory_space<vmem>>[vector<16xi32>, vector<16xi32>], vector<16xf32>,
      %get3A_502 = arith.index_cast %sub3A_459 : i32 to index
      %get3A_503 = arith.constant 112 : index
      %get3A_504 = tpu.vector_load %arg4[%get3A_502, %get3A_503] {strides = array<i32>} : memref<32x200xi32, #tpu.memory_space<vmem>>, vector<16xi32>,
      %add3A_505 = arith.constant 112 : i32
      %add3A_506 = vector.broadcast %add3A_505 : i32 to vector<16xi32>
      %add3A_507 = arith.addi %add3A_506, %iota3A : vector<16xi32>
      tpu.vector_store_idx %arg6[%add3A_507, %get3A_504], %broadcast_in_dim3A_8 : memref<200x128xf32, #tpu.memory_space<vmem>>[vector<16xi32>, vector<16xi32>], vector<16xf32>,
      %get3A_508 = arith.index_cast %sub3A_459 : i32 to index
      %get3A_509 = arith.constant 128 : index
      %get3A_510 = tpu.vector_load %arg4[%get3A_508, %get3A_509] {strides = array<i32>} : memref<32x200xi32, #tpu.memory_space<vmem>>, vector<16xi32>,
      %add3A_511 = arith.constant 128 : i32
      %add3A_512 = vector.broadcast %add3A_511 : i32 to vector<16xi32>
      %add3A_513 = arith.addi %add3A_512, %iota3A : vector<16xi32>
      tpu.vector_store_idx %arg6[%add3A_513, %get3A_510], %broadcast_in_dim3A_8 : memref<200x128xf32, #tpu.memory_space<vmem>>[vector<16xi32>, vector<16xi32>], vector<16xf32>,
      %get3A_514 = arith.index_cast %sub3A_459 : i32 to index
      %get3A_515 = arith.constant 144 : index
      %get3A_516 = tpu.vector_load %arg4[%get3A_514, %get3A_515] {strides = array<i32>} : memref<32x200xi32, #tpu.memory_space<vmem>>, vector<16xi32>,
      %add3A_517 = arith.constant 144 : i32
      %add3A_518 = vector.broadcast %add3A_517 : i32 to vector<16xi32>
      %add3A_519 = arith.addi %add3A_518, %iota3A : vector<16xi32>
      tpu.vector_store_idx %arg6[%add3A_519, %get3A_516], %broadcast_in_dim3A_8 : memref<200x128xf32, #tpu.memory_space<vmem>>[vector<16xi32>, vector<16xi32>], vector<16xf32>,
      %get3A_520 = arith.index_cast %sub3A_459 : i32 to index
      %get3A_521 = arith.constant 160 : index
      %get3A_522 = tpu.vector_load %arg4[%get3A_520, %get3A_521] {strides = array<i32>} : memref<32x200xi32, #tpu.memory_space<vmem>>, vector<16xi32>,
      %add3A_523 = arith.constant 160 : i32
      %add3A_524 = vector.broadcast %add3A_523 : i32 to vector<16xi32>
      %add3A_525 = arith.addi %add3A_524, %iota3A : vector<16xi32>
      tpu.vector_store_idx %arg6[%add3A_525, %get3A_522], %broadcast_in_dim3A_8 : memref<200x128xf32, #tpu.memory_space<vmem>>[vector<16xi32>, vector<16xi32>], vector<16xf32>,
      %get3A_526 = arith.index_cast %sub3A_459 : i32 to index
      %get3A_527 = arith.constant 176 : index
      %get3A_528 = tpu.vector_load %arg4[%get3A_526, %get3A_527] {strides = array<i32>} : memref<32x200xi32, #tpu.memory_space<vmem>>, vector<16xi32>,
      %add3A_529 = arith.constant 176 : i32
      %add3A_530 = vector.broadcast %add3A_529 : i32 to vector<16xi32>
      %add3A_531 = arith.addi %add3A_530, %iota3A : vector<16xi32>
      tpu.vector_store_idx %arg6[%add3A_531, %get3A_528], %broadcast_in_dim3A_8 : memref<200x128xf32, #tpu.memory_space<vmem>>[vector<16xi32>, vector<16xi32>], vector<16xf32>,
      %get3A_532 = arith.index_cast %sub3A_459 : i32 to index
      %get3A_533 = arith.constant 184 : index
      %get3A_534 = tpu.vector_load %arg4[%get3A_532, %get3A_533] {strides = array<i32>} : memref<32x200xi32, #tpu.memory_space<vmem>>, vector<16xi32>,
      %add3A_535 = arith.constant 184 : i32
      %add3A_536 = vector.broadcast %add3A_535 : i32 to vector<16xi32>
      %add3A_537 = arith.addi %add3A_536, %iota3A : vector<16xi32>
      %ge3A_538 = arith.constant 8 : i32
      %ge3A_539 = vector.broadcast %ge3A_538 : i32 to vector<16xi32>
      %ge3A_540 = arith.cmpi sge, %iota3A, %ge3A_539 : vector<16xi32>
      tpu.vector_store_idx %arg6[%add3A_537, %get3A_534], %broadcast_in_dim3A_8 masked %ge3A_540 : memref<200x128xf32, #tpu.memory_space<vmem>>[vector<16xi32>, vector<16xi32>], vector<16xf32>, vector<16xi1>
      %get3A_541 = arith.index_cast %add3A_446 : i32 to index
      %get3A_542 = arith.constant 0 : index
      %get3A_543 = tpu.vector_load %arg4[%get3A_541, %get3A_542] {strides = array<i32>} : memref<32x200xi32, #tpu.memory_space<vmem>>, vector<16xi32>,
      %add3A_544 = arith.constant 0 : i32
      %add3A_545 = vector.broadcast %add3A_544 : i32 to vector<16xi32>
      %add3A_546 = arith.addi %add3A_545, %iota3A : vector<16xi32>
      tpu.vector_store_idx %arg6[%add3A_546, %get3A_543], %broadcast_in_dim3A_6 : memref<200x128xf32, #tpu.memory_space<vmem>>[vector<16xi32>, vector<16xi32>], vector<16xf32>,
      %get3A_547 = arith.index_cast %add3A_446 : i32 to index
      %get3A_548 = arith.constant 16 : index
      %get3A_549 = tpu.vector_load %arg4[%get3A_547, %get3A_548] {strides = array<i32>} : memref<32x200xi32, #tpu.memory_space<vmem>>, vector<16xi32>,
      %add3A_550 = arith.constant 16 : i32
      %add3A_551 = vector.broadcast %add3A_550 : i32 to vector<16xi32>
      %add3A_552 = arith.addi %add3A_551, %iota3A : vector<16xi32>
      tpu.vector_store_idx %arg6[%add3A_552, %get3A_549], %broadcast_in_dim3A_6 : memref<200x128xf32, #tpu.memory_space<vmem>>[vector<16xi32>, vector<16xi32>], vector<16xf32>,
      %get3A_553 = arith.index_cast %add3A_446 : i32 to index
      %get3A_554 = arith.constant 32 : index
      %get3A_555 = tpu.vector_load %arg4[%get3A_553, %get3A_554] {strides = array<i32>} : memref<32x200xi32, #tpu.memory_space<vmem>>, vector<16xi32>,
      %add3A_556 = arith.constant 32 : i32
      %add3A_557 = vector.broadcast %add3A_556 : i32 to vector<16xi32>
      %add3A_558 = arith.addi %add3A_557, %iota3A : vector<16xi32>
      tpu.vector_store_idx %arg6[%add3A_558, %get3A_555], %broadcast_in_dim3A_6 : memref<200x128xf32, #tpu.memory_space<vmem>>[vector<16xi32>, vector<16xi32>], vector<16xf32>,
      %get3A_559 = arith.index_cast %add3A_446 : i32 to index
      %get3A_560 = arith.constant 48 : index
      %get3A_561 = tpu.vector_load %arg4[%get3A_559, %get3A_560] {strides = array<i32>} : memref<32x200xi32, #tpu.memory_space<vmem>>, vector<16xi32>,
      %add3A_562 = arith.constant 48 : i32
      %add3A_563 = vector.broadcast %add3A_562 : i32 to vector<16xi32>
      %add3A_564 = arith.addi %add3A_563, %iota3A : vector<16xi32>
      tpu.vector_store_idx %arg6[%add3A_564, %get3A_561], %broadcast_in_dim3A_6 : memref<200x128xf32, #tpu.memory_space<vmem>>[vector<16xi32>, vector<16xi32>], vector<16xf32>,
      %get3A_565 = arith.index_cast %add3A_446 : i32 to index
      %get3A_566 = arith.constant 64 : index
      %get3A_567 = tpu.vector_load %arg4[%get3A_565, %get3A_566] {strides = array<i32>} : memref<32x200xi32, #tpu.memory_space<vmem>>, vector<16xi32>,
      %add3A_568 = arith.constant 64 : i32
      %add3A_569 = vector.broadcast %add3A_568 : i32 to vector<16xi32>
      %add3A_570 = arith.addi %add3A_569, %iota3A : vector<16xi32>
      tpu.vector_store_idx %arg6[%add3A_570, %get3A_567], %broadcast_in_dim3A_6 : memref<200x128xf32, #tpu.memory_space<vmem>>[vector<16xi32>, vector<16xi32>], vector<16xf32>,
      %get3A_571 = arith.index_cast %add3A_446 : i32 to index
      %get3A_572 = arith.constant 80 : index
      %get3A_573 = tpu.vector_load %arg4[%get3A_571, %get3A_572] {strides = array<i32>} : memref<32x200xi32, #tpu.memory_space<vmem>>, vector<16xi32>,
      %add3A_574 = arith.constant 80 : i32
      %add3A_575 = vector.broadcast %add3A_574 : i32 to vector<16xi32>
      %add3A_576 = arith.addi %add3A_575, %iota3A : vector<16xi32>
      tpu.vector_store_idx %arg6[%add3A_576, %get3A_573], %broadcast_in_dim3A_6 : memref<200x128xf32, #tpu.memory_space<vmem>>[vector<16xi32>, vector<16xi32>], vector<16xf32>,
      %get3A_577 = arith.index_cast %add3A_446 : i32 to index
      %get3A_578 = arith.constant 96 : index
      %get3A_579 = tpu.vector_load %arg4[%get3A_577, %get3A_578] {strides = array<i32>} : memref<32x200xi32, #tpu.memory_space<vmem>>, vector<16xi32>,
      %add3A_580 = arith.constant 96 : i32
      %add3A_581 = vector.broadcast %add3A_580 : i32 to vector<16xi32>
      %add3A_582 = arith.addi %add3A_581, %iota3A : vector<16xi32>
      tpu.vector_store_idx %arg6[%add3A_582, %get3A_579], %broadcast_in_dim3A_6 : memref<200x128xf32, #tpu.memory_space<vmem>>[vector<16xi32>, vector<16xi32>], vector<16xf32>,
      %get3A_583 = arith.index_cast %add3A_446 : i32 to index
      %get3A_584 = arith.constant 112 : index
      %get3A_585 = tpu.vector_load %arg4[%get3A_583, %get3A_584] {strides = array<i32>} : memref<32x200xi32, #tpu.memory_space<vmem>>, vector<16xi32>,
      %add3A_586 = arith.constant 112 : i32
      %add3A_587 = vector.broadcast %add3A_586 : i32 to vector<16xi32>
      %add3A_588 = arith.addi %add3A_587, %iota3A : vector<16xi32>
      tpu.vector_store_idx %arg6[%add3A_588, %get3A_585], %broadcast_in_dim3A_6 : memref<200x128xf32, #tpu.memory_space<vmem>>[vector<16xi32>, vector<16xi32>], vector<16xf32>,
      %get3A_589 = arith.index_cast %add3A_446 : i32 to index
      %get3A_590 = arith.constant 128 : index
      %get3A_591 = tpu.vector_load %arg4[%get3A_589, %get3A_590] {strides = array<i32>} : memref<32x200xi32, #tpu.memory_space<vmem>>, vector<16xi32>,
      %add3A_592 = arith.constant 128 : i32
      %add3A_593 = vector.broadcast %add3A_592 : i32 to vector<16xi32>
      %add3A_594 = arith.addi %add3A_593, %iota3A : vector<16xi32>
      tpu.vector_store_idx %arg6[%add3A_594, %get3A_591], %broadcast_in_dim3A_6 : memref<200x128xf32, #tpu.memory_space<vmem>>[vector<16xi32>, vector<16xi32>], vector<16xf32>,
      %get3A_595 = arith.index_cast %add3A_446 : i32 to index
      %get3A_596 = arith.constant 144 : index
      %get3A_597 = tpu.vector_load %arg4[%get3A_595, %get3A_596] {strides = array<i32>} : memref<32x200xi32, #tpu.memory_space<vmem>>, vector<16xi32>,
      %add3A_598 = arith.constant 144 : i32
      %add3A_599 = vector.broadcast %add3A_598 : i32 to vector<16xi32>
      %add3A_600 = arith.addi %add3A_599, %iota3A : vector<16xi32>
      tpu.vector_store_idx %arg6[%add3A_600, %get3A_597], %broadcast_in_dim3A_6 : memref<200x128xf32, #tpu.memory_space<vmem>>[vector<16xi32>, vector<16xi32>], vector<16xf32>,
      %get3A_601 = arith.index_cast %add3A_446 : i32 to index
      %get3A_602 = arith.constant 160 : index
      %get3A_603 = tpu.vector_load %arg4[%get3A_601, %get3A_602] {strides = array<i32>} : memref<32x200xi32, #tpu.memory_space<vmem>>, vector<16xi32>,
      %add3A_604 = arith.constant 160 : i32
      %add3A_605 = vector.broadcast %add3A_604 : i32 to vector<16xi32>
      %add3A_606 = arith.addi %add3A_605, %iota3A : vector<16xi32>
      tpu.vector_store_idx %arg6[%add3A_606, %get3A_603], %broadcast_in_dim3A_6 : memref<200x128xf32, #tpu.memory_space<vmem>>[vector<16xi32>, vector<16xi32>], vector<16xf32>,
      %get3A_607 = arith.index_cast %add3A_446 : i32 to index
      %get3A_608 = arith.constant 176 : index
      %get3A_609 = tpu.vector_load %arg4[%get3A_607, %get3A_608] {strides = array<i32>} : memref<32x200xi32, #tpu.memory_space<vmem>>, vector<16xi32>,
      %add3A_610 = arith.constant 176 : i32
      %add3A_611 = vector.broadcast %add3A_610 : i32 to vector<16xi32>
      %add3A_612 = arith.addi %add3A_611, %iota3A : vector<16xi32>
      tpu.vector_store_idx %arg6[%add3A_612, %get3A_609], %broadcast_in_dim3A_6 : memref<200x128xf32, #tpu.memory_space<vmem>>[vector<16xi32>, vector<16xi32>], vector<16xf32>,
      %get3A_613 = arith.index_cast %add3A_446 : i32 to index
      %get3A_614 = arith.constant 184 : index
      %get3A_615 = tpu.vector_load %arg4[%get3A_613, %get3A_614] {strides = array<i32>} : memref<32x200xi32, #tpu.memory_space<vmem>>, vector<16xi32>,
      %add3A_616 = arith.constant 184 : i32
      %add3A_617 = vector.broadcast %add3A_616 : i32 to vector<16xi32>
      %add3A_618 = arith.addi %add3A_617, %iota3A : vector<16xi32>
      %ge3A_619 = arith.constant 8 : i32
      %ge3A_620 = vector.broadcast %ge3A_619 : i32 to vector<16xi32>
      %ge3A_621 = arith.cmpi sge, %iota3A, %ge3A_620 : vector<16xi32>
      tpu.vector_store_idx %arg6[%add3A_618, %get3A_615], %broadcast_in_dim3A_6 masked %ge3A_621 : memref<200x128xf32, #tpu.memory_space<vmem>>[vector<16xi32>, vector<16xi32>], vector<16xf32>, vector<16xi1>
      %add3A_622 = arith.addi %mul3A_2, %add3A_446 : i32
      %dma_start3A_623 = arith.constant 0 : i32
      %dma_start3A_624 = arith.constant 0 : i32
      %dma_start3A_625 = tpu.memref_slice %arg3[%add3A_622, %dma_start3A_623, %dma_start3A_624] : memref<1024x200x128xf32, #tpu.memory_space<hbm>> -> memref<1x200x128xf32, #tpu.memory_space<hbm>>
      %dma_start3A_626 = tpu.memref_squeeze %dma_start3A_625 : memref<1x200x128xf32, #tpu.memory_space<hbm>> -> memref<200x128xf32, #tpu.memory_space<hbm>>
      %dma_start3A_627 = arith.constant 0 : i32
      %dma_start3A_628 = arith.constant 0 : i32
      %dma_start3A_629 = tpu.memref_slice %arg3[%add3A_622, %dma_start3A_627, %dma_start3A_628] : memref<1024x200x128xf32, #tpu.memory_space<hbm>> -> memref<1x200x128xf32, #tpu.memory_space<hbm>>
      %dma_start3A_630 = tpu.memref_squeeze %dma_start3A_629 : memref<1x200x128xf32, #tpu.memory_space<hbm>> -> memref<200x128xf32, #tpu.memory_space<hbm>>
      tpu.enqueue_dma source(%arg6 : memref<200x128xf32, #tpu.memory_space<vmem>>) target(%dma_start3A_630 : memref<200x128xf32, #tpu.memory_space<hbm>>) target_semaphore(%arg8 : memref<!tpu.dma_semaphore, #tpu.memory_space<semaphore_mem>>)
    }
    %scan3A_232 = arith.constant 15 : i32
    %add3A_233 = arith.constant 32 : i32
    %add3A_234 = arith.addi %mul3A_2, %add3A_233 : i32
    %sub3A = arith.constant 2 : i32
    %sub3A_235 = arith.subi %add3A_234, %sub3A : i32
    %dma_wait3A_236 = arith.constant 0 : i32
    %dma_wait3A_237 = arith.constant 0 : i32
    %dma_wait3A_238 = tpu.memref_slice %arg3[%sub3A_235, %dma_wait3A_236, %dma_wait3A_237] : memref<1024x200x128xf32, #tpu.memory_space<hbm>> -> memref<1x200x128xf32, #tpu.memory_space<hbm>>
    %dma_wait3A_239 = tpu.memref_squeeze %dma_wait3A_238 : memref<1x200x128xf32, #tpu.memory_space<hbm>> -> memref<200x128xf32, #tpu.memory_space<hbm>>
    %dma_wait3A_240 = arith.constant 0 : i32
    %dma_wait3A_241 = arith.constant 0 : i32
    %dma_wait3A_242 = tpu.memref_slice %arg3[%sub3A_235, %dma_wait3A_240, %dma_wait3A_241] : memref<1024x200x128xf32, #tpu.memory_space<hbm>> -> memref<1x200x128xf32, #tpu.memory_space<hbm>>
    %dma_wait3A_243 = tpu.memref_squeeze %dma_wait3A_242 : memref<1x200x128xf32, #tpu.memory_space<hbm>> -> memref<200x128xf32, #tpu.memory_space<hbm>>
    tpu.wait_dma2 semaphore(%arg7 : memref<!tpu.dma_semaphore, #tpu.memory_space<semaphore_mem>>) src(%arg5 : memref<200x128xf32, #tpu.memory_space<vmem>>) dst(%dma_wait3A_243 : memref<200x128xf32, #tpu.memory_space<hbm>>)
    %add3A_244 = arith.constant 32 : i32
    %add3A_245 = arith.addi %mul3A_2, %add3A_244 : i32
    %sub3A_246 = arith.constant 1 : i32
    %sub3A_247 = arith.subi %add3A_245, %sub3A_246 : i32
    %dma_wait3A_248 = arith.constant 0 : i32
    %dma_wait3A_249 = arith.constant 0 : i32
    %dma_wait3A_250 = tpu.memref_slice %arg3[%sub3A_247, %dma_wait3A_248, %dma_wait3A_249] : memref<1024x200x128xf32, #tpu.memory_space<hbm>> -> memref<1x200x128xf32, #tpu.memory_space<hbm>>
    %dma_wait3A_251 = tpu.memref_squeeze %dma_wait3A_250 : memref<1x200x128xf32, #tpu.memory_space<hbm>> -> memref<200x128xf32, #tpu.memory_space<hbm>>
    %dma_wait3A_252 = arith.constant 0 : i32
    %dma_wait3A_253 = arith.constant 0 : i32
    %dma_wait3A_254 = tpu.memref_slice %arg3[%sub3A_247, %dma_wait3A_252, %dma_wait3A_253] : memref<1024x200x128xf32, #tpu.memory_space<hbm>> -> memref<1x200x128xf32, #tpu.memory_space<hbm>>
    %dma_wait3A_255 = tpu.memref_squeeze %dma_wait3A_254 : memref<1x200x128xf32, #tpu.memory_space<hbm>> -> memref<200x128xf32, #tpu.memory_space<hbm>>
    tpu.wait_dma2 semaphore(%arg8 : memref<!tpu.dma_semaphore, #tpu.memory_space<semaphore_mem>>) src(%arg6 : memref<200x128xf32, #tpu.memory_space<vmem>>) dst(%dma_wait3A_255 : memref<200x128xf32, #tpu.memory_space<hbm>>)
    return
  }
}

</mosaic_0001>

<sc_bundles>
// kernel: kernel.3.cloned.1.call-start
scs
__scs_entry_jumppad:
0x0: {  	(pc) =	sbr.rel $0x88, $3  }
0x1: {  	(tag) =	ssettag $0x0;
	lr =	simm.s32 $0x1  }
0x2: {  	[smem:$0x3FA0] =	sst lr;
	_ =	strace $0xD0000000  }
0x3: {  	_ = 	snop  }
0x4: {  	_ = 	snop  }
0x5: {  	_ = 	snop  }
0x6: {  	_ = 	snop  }
0x7: {  	_ = 	snop  }
__scs_overlays_trampoline_lowered:
0x8: {  	[smem:$0x3FAF] =	sst s0  }
0x9: {  	[smem:$0x3FB0] =	sst s1  }
0xa: {  	[smem:$0x3FB1] =	sst s2  }
0xb: {  	[smem:$0x3FB2] =	sst s3  }
0xc: {  	[smem:$0x3FB3] =	sst s4  }
0xd: {  	[smem:$0x3FB4] =	sst s5  }
0xe: {  	[smem:$0x3FB5] =	sst s6  }
0xf: {  	[smem:$0x3FB6] =	sst s7  }
0x10: {  	[smem:$0x3FB7] =	sst s8  }
0x11: {  	[smem:$0x3FB8] =	sst s9;
	s0 =	simm.s32 @!p0 $0x0  }
0x12: {  	s1 =	sld [smem:$0x3F9E];
	s0 =	simm.s32 @p0 $0x1  }
0x13: {  	[smem:$0x3FB9] =	sst s0;
	s0 =	simm.s32 @!p1 $0x0  }
0x14: {  	s2 =	sld [smem:$0x3F9D];
	s0 =	simm.s32 @p1 $0x1  }
0x15: {  	[smem:$0x3FBA] =	sst s0;
	s0 =	simm.s32 @!p2 $0x0  }
0x16: {  	s3 =	sld [smem:$0x3FDB];
	s0 =	simm.s32 @p2 $0x1  }
0x17: {  	s4 =	simm.s32 $0x1BF5;
	[smem:$0x3FBC] =	sst s0  }
0x18: {  	s0 =	sld [smem:$0x3F9F];
	_ =	swait.ge [sflag:s4], $0x0  }
0x19: {  	s7 =	sld [smem:$0x3FA0]  }
0x1a: {  	s8 =	sadd.s32 $0xFFFFE003, lr  }
0x1b: {  	s9 =	sadd.s32 $0xFFFFFEF7, lr;
	s5 =	simm.s32 $0xFFFFFFFF;
	p2 =	slt.u32 s8, $0xFFFFF086  }
0x1c: {  	p1 =	slt.u32 s9, $0xF7A;
	s5 =	simm.s32 @!p2 $0x0  }
0x1d: {  	s5 =	simm.s32 @p1 $0x1;
	p0 =	seq.s32 s7, s2  }
0x1e: {  	s7 =	smul.u32 @!p0 $0xF7A, s2;
	p2 =	seq.s32 @!p0 s5, $0x0  }
0x1f: {  	s9 =	smul.u32 $0xF7A, s1;
	s8 =	simm.s32 @!p0 $0x1BF5;
	p2 =	por !p2, p0  }
0x20: {  	[sflag:s8] =	ssyncset.s32 @!p0 $0xFFFFF086;
	s6 =	sadd.s32 @!p0 s3, s7;
	s7 =	simm.s32 @!p0 $0x108  }
0x21: {  	s3 =	sadd.s32 s3, s9;
	s6 =	sadd.s32 @!p0 $0x88, s6;
	s7 =	simm.s32 @p2 $0x1082  }
0x22: {  	[simem:s7], [sflag:s8] =	dma.local @!p0 [hbm:s6], $0xF7A  }
0x23: {  	s9 =	sor.u32 $0xD0000000, s2;
	s6 =	simm.s32 $0x108;
	_ =	swait.ge @!p0 [sflag:s8], $0x0  }
0x24: {  	s3 =	sadd.s32 $0x88, s3;
	s6 =	simm.s32 @!p1 $0x1082;
	[sflag:s4] =	ssyncset.s32 $0xFFFFF086  }
0x25: {  	[simem:s6], [sflag:s4] =	dma.local [hbm:s3], $0xF7A  }
0x26: {  	[smem:$0x3FA0] =	sst s1;
	(tag) =	ssettag s2;
	_ =	strace s9  }
0x27: {  	s1 =	sld [smem:$0x3FB0]  }
0x28: {  	s2 =	sld [smem:$0x3FB1]  }
0x29: {  	s4 =	sld [smem:$0x3FB3]  }
0x2a: {  	p0 =	seq.s32 s5, $0x0;
	s5 =	sld [smem:$0x3FB4]  }
0x2b: {  	s6 =	sld [smem:$0x3FB5]  }
0x2c: {  	s7 =	sld [smem:$0x3FB6]  }
0x2d: {  	s3 =	simm.s32 $0x108;
	s8 =	sld [smem:$0x3FB7]  }
0x2e: {  	s3 =	simm.s32 @!p0 $0x1082;
	s9 =	sld [smem:$0x3FB8]  }
0x2f: {  	lr =	sadd.s32 s0, s3;
	s0 =	sld [smem:$0x3FAF]  }
0x30: {  	s3 =	sld [smem:$0x3FB2]  }
0x31: {  	[smem:$0x3FBB] =	sst s10  }
0x32: {  	s10 =	sld [smem:$0x3FB9];
	_ =	sdelay $0x3  }
0x33: {  	p0 =	seq.s32 s10, $0x1;
	s10 =	sld [smem:$0x3FBB];
	_ =	sdelay $0x3  }
0x34: {  	[smem:$0x3FBB] =	sst s10  }
0x35: {  	s10 =	sld [smem:$0x3FBA];
	_ =	sdelay $0x3  }
0x36: {  	p1 =	seq.s32 s10, $0x1;
	s10 =	sld [smem:$0x3FBB];
	_ =	sdelay $0x3  }
0x37: {  	[smem:$0x3FBB] =	sst s10  }
0x38: {  	s10 =	sld [smem:$0x3FBC]  }
0x39: {  	_ = 	snop;
	(pc) =	sbr.ind lr, $3  }
0x3a: {  	_ = 	snop  }
0x3b: {  	_ = 	snop  }
0x3c: {  	p2 =	seq.s32 s10, $0x1;
	s10 =	sld [smem:$0x3FBB]  }
0x3d: {  	_ =	shalt  }
0x3e: {  	_ =	shalt  }
0x3f: {  	_ =	shalt  }
0x40: {  	_ =	shalt  }
0x41: {  	_ =	shalt  }
0x42: {  	_ =	shalt  }
0x43: {  	_ =	shalt  }
0x44: {  	_ =	shalt  }
0x45: {  	_ =	shalt  }
0x46: {  	_ =	shalt  }
0x47: {  	_ =	shalt  }
0x48: {  	_ =	shalt  }
0x49: {  	_ =	shalt  }
0x4a: {  	_ =	shalt  }
0x4b: {  	_ =	shalt  }
0x4c: {  	_ =	shalt  }
0x4d: {  	_ =	shalt  }
0x4e: {  	_ =	shalt  }
0x4f: {  	_ =	shalt  }
0x50: {  	_ =	shalt  }
0x51: {  	_ =	shalt  }
0x52: {  	_ =	shalt  }
0x53: {  	_ =	shalt  }
0x54: {  	_ =	shalt  }
0x55: {  	_ =	shalt  }
0x56: {  	_ =	shalt  }
0x57: {  	_ =	shalt  }
0x58: {  	_ =	shalt  }
0x59: {  	_ =	shalt  }
0x5a: {  	_ =	shalt  }
0x5b: {  	_ =	shalt  }
0x5c: {  	_ =	shalt  }
0x5d: {  	_ =	shalt  }
0x5e: {  	_ =	shalt  }
0x5f: {  	_ =	shalt  }
0x60: {  	_ =	shalt  }
0x61: {  	_ =	shalt  }
0x62: {  	_ =	shalt  }
0x63: {  	_ =	shalt  }
0x64: {  	_ =	shalt  }
0x65: {  	_ =	shalt  }
0x66: {  	_ =	shalt  }
0x67: {  	_ =	shalt  }
0x68: {  	_ =	shalt  }
0x69: {  	_ =	shalt  }
0x6a: {  	_ =	shalt  }
0x6b: {  	_ =	shalt  }
0x6c: {  	_ =	shalt  }
0x6d: {  	_ =	shalt  }
0x6e: {  	_ =	shalt  }
0x6f: {  	_ =	shalt  }
0x70: {  	_ =	shalt  }
0x71: {  	_ =	shalt  }
0x72: {  	_ =	shalt  }
0x73: {  	_ =	shalt  }
0x74: {  	_ =	shalt  }
0x75: {  	_ =	shalt  }
0x76: {  	_ =	shalt  }
0x77: {  	_ =	shalt  }
0x78: {  	_ =	shalt  }
0x79: {  	_ =	shalt  }
0x7a: {  	_ =	shalt  }
0x7b: {  	_ =	shalt  }
0x7c: {  	_ =	shalt  }
0x7d: {  	_ =	shalt  }
0x7e: {  	_ =	shalt  }
0x7f: {  	_ =	shalt  }
0x80: {  	_ =	shalt  }
0x81: {  	_ =	shalt  }
0x82: {  	_ =	shalt  }
0x83: {  	_ =	shalt  }
0x84: {  	_ =	shalt  }
0x85: {  	_ =	shalt  }
0x86: {  	_ =	shalt  }
0x87: {  	_ =	shalt  }
.Lfunc_end0:
.L_simem_size_0:
called_computation_lowered:
.L_overlay_start_0:
0x88: {  	s2 =	sld [smem:$0x3FD9]  }
0x89: {  	s3 =	sld [smem:$0x3FFE];
	_ =	sdelay $0x1  }
0x8a: {  	s1 =	srdreg.scid  }
0x8b: {  	s0 =	sand.u32 $0x1, s1  }
0x8c: {  	s17 =	sshll.u32 s0, $0xA;
	s2 =	sadd.s32 s3, s2  }
0x8d: {  	s2 =	sadd.s32 s2, s17  }
0x8e: {  	[smem:$0x3FC7] =	sst s2  }
0x8f: {  	_ = 	snop  }
0x90: {  	s2 =	sld [smem:$0x3FD0];
	(tm) =	ssettm $0x1  }
0x91: {  	s18 =	sld [smem:$0x3FFB];
	_ =	sdelay $0x3  }
0x92: {  	_ =	strace s18  }
0x93: {  	s3 =	sld [smem:$0x3FFC];
	_ =	sdelay $0x3  }
0x94: {  	_ =	strace s3  }
0x95: {  	s3 =	sld [smem:$0x3FFD];
	_ =	sdelay $0x3  }
0x96: {  	_ =	strace s3  }
0x97: {  	_ =	strace $0x8FFFFFFF  }
0x98: {  	s19 =	sld [smem:$0x3FDB];
	_ =	sdelay $0x1  }
0x99: {  	s4 =	simm.s32 $_scs_section_size  }
0x9a: {  	s5 =	simm.s32 $_size__tile_overlayer_lowered;
	s6 =	simm.s32 $_tile_overlayer_lowered  }
0x9b: {  	s22 =	simm.s32 $0x1BFF;
	s21 =	sshll.u32 s6, $0x1;
	s3 =	sadd.s32 s4, s19  }
0x9c: {  	s7 =	simm.s32 $0x0;
	s20 =	sshll.u32 s5, $0x1;
	s5 =	sadd.s32 s21, s3  }
0x9d: {  	[timem:s7], [sflag:s22] =	dma.local [hbm:s5], s20  }
0x9e: {  	_ =	swait.ge [sflag:s22], s20  }
0x9f: {  	s4 =	ssub.s32 $0x0, s20;
	[sflag:s22] =	ssyncset.done $0x0  }
0xa0: {  	[sflag:s22] =	ssyncadd.s32 s4;
	_ =	sdelay $0x1  }
0xa1: {  	s23 =	simm.s32 $0x1B8B  }
0xa2: {  	_ =	swait.ge [sflag:s23], $0x1  }
0xa3: {  	[sflag:s23] =	ssyncset.done $0x0  }
0xa4: {  	s25 =	simm.s32 $0x1B8E;
	s24 =	sld [smem:$0x3FFE];
	[sflag:s23] =	ssyncadd.s32 $0xFFFFFFFF  }
0xa5: {  	s26 =	simm.s32 $execute0_lowered;
	[smem:$0x3FD2] =	sst s25  }
0xa6: {  	s5 =	sshll.u32 s26, $0x1;
	_ =	strace $0x80000046;
	[dreg:$0x1] =	wrdreg $0xFFFFFFFF  }
0xa7: {  	s28 =	simm.s32 $_size_execute0_lowered;
	s3 =	sadd.s32 s3, s5;
	[dreg:$0x0] =	wrdreg $0x0  }
0xa8: {  	s5 =	sshll.u32 s28, $0x1;
	[dreg:$0x2] =	wrdreg s3  }
0xa9: {  	[dreg:$0x3] =	wrdreg s5  }
0xaa: {  	[dreg:$0x4] =	wrdreg $0xC0  }
0xab: {  	_ =	task [dreg:s7], $0x5FFFF  }
0xac: {  	[dreg:$0x1] =	wrdreg $0xFFFFFFFF  }
0xad: {  	[dreg:$0x0] =	wrdreg $0x60  }
0xae: {  	[dreg:$0x2] =	wrdreg s24  }
0xaf: {  	[dreg:$0x3] =	wrdreg s2  }
0xb0: {  	[dreg:$0x4] =	wrdreg $0x9  }
0xb1: {  	_ =	task.clear_ibuf [dreg:s7], $0x5FFFF;
	_ =	strace $0x90000046  }
0xb2: {  	s29 =	simm.s32 $0x9;
	_ =	strace $0x80000048  }
0xb3: {  	_ =	swait.ge [sflag:s29], $0x1  }
0xb4: {  	[sflag:s29] =	ssyncadd.s32 $0xFFFFFFFF  }
0xb5: {  	_ =	strace $0x90000048  }
0xb6: {  	_ =	sfence  }
0xb7: {  	s30 =	sld [smem:$0x0];
	_ =	sdelay $0x2  }
0xb8: {  	s31 =	sshll.u32 s1, $0xD;
	s1 =	sshrl.u32 s1, $0x2  }
0xb9: {  	s3 =	sand.u32 $0x4000, s31;
	s1 =	sadd.s32 s1, s30  }
0xba: {  	s0 =	sor.u32 s3, s0;
	s1 =	sshll.u32 s1, $0x11  }
0xbb: {  	s0 =	sor.u32 s1, s0  }
0xbc: {  	s0 =	sadd.s32 $0x8F2B, s0  }
0xbd: {  	[sflag:s0] =	ssyncadd.remote.s32 $0x1  }
0xbe: {  	_ =	sfence.sel $0xFFFF  }
0xbf: {  	[dreg:$0x0] =	wrdreg $0xFFFFFFFF;
	(pc) =	sbr.abs _section_cstart, $3  }
0xc0: {  	[dreg:$0x1] =	wrdreg $0xFFFFFFFF  }
0xc1: {  	_ =	task.clear_ibuf [dreg:s7], $0x2FFFF;
	_ =	strace $0x9FFFFFFF  }
0xc2: {  	(tm) =	ssettm $0x7FFFFFFF  }
0xc3: {  	_ =	shalt  }
tec
execute0_lowered:
.L_overlay_start_1:
0x0: {  	(tag) =	ssettag $0x1  }
0x1: {  	s3 =	rddreg [dreg:$0x0]  }
0x2: {  	s5 =	rddreg [dreg:$0x1];
	s2 =	srdreg.scid  }
0x3: {  	s0 =	rddreg [dreg:$0x2];
	s1 =	stileid.u32  }
0x4: {  	s11 =	simm.s32 $0x2;
	s12 =	simm.s32 $0x0;
	s4 =	sand.u32 $0x1, s2  }
0x5: {  	s2 =	simm.s32 $0x0;
	s6 =	sshll.u32 s1, $0x6;
	s10 =	smul.u32 $0x32000, s1  }
0x6: {  	v0 =	vlaneseq.u32;
	s7 =	sshll.u32 s4, $0x5;
	[smem:$0x7FF] =	sst s2;
	s28 =	ssub.s32 $0x2, s4  }
0x7: {  	v0 =	vmul.u32 $0x80, v0;
	s30 =	smul.u32 $0x19000, s4;
	s6 =	sor.u32 s7, s6;
	_ =	strace $0x80000047  }
0x8: {  	v1 =	vimm.f32 $0.0e+00;
	v2 =	vimm.f32 $1.000000000e+00;
	vm0 =	vcmask $0x3F20;
	s9 =	sshrl.u32 s28, $0x1;
	s31 =	sadd.s32 s10, s5;
	s10 =	simm.s32 $0x8400  }
0x9: {  	v3 =	vor.u32 $0x800, v0;
	v4 =	vor.u32 $0x1000, v0;
	v5 =	vor.u32 $0x1800, v0;
	s8 =	smul.u32 $0xC80, s6;
	s6 =	sshll.u32 s6, $0x5;
	s29 =	ssub.s32 s28, s9  }
0xa: {  	v6 =	vor.u32 $0x2000, v0;
	v7 =	vor.u32 $0x2800, v0;
	v8 =	vor.u32 $0x3000, v0;
	s7 =	sadd.s32 s30, s31;
	s9 =	simm.s32 $0x2000;
	s3 =	sadd.s32 s6, s3  }
0xb: {  	v9 =	vor.u32 $0x3800, v0;
	v10 =	vor.u32 $0x4000, v0;
	v11 =	vor.u32 $0x4800, v0;
	s6 =	smax.u32 s29, $0x1;
	s7 =	sadd.s32 $0x1900, s7;
	s4 =	sadd.s32 s5, s8  }
0xc: {  	v12 =	vor.u32 $0x5000, v0;
	v13 =	vor.u32 $0x5800, v0;
	v14 =	vadd.s32 $0x5C00, v0;
	s3 =	sadd.s32 $0x400, s3;
	s8 =	simm.s32 $0x1;
	s5 =	sadd.s32 $0xC80, s4  }
.LBB2_1:
0xd: {  	[tilespmem:s2], [sflag:$0x1] =	stream.linear.gather [hbm4b:s3+s2], $0x2000, $0x38;
	[tilespmem:$0xE800] =	vst v63  }
0xe: {  	s13 =	simm.s32 $0x0;
	s14 =	simm.s32 $0x800  }
.LBB2_2:
0xf: {  	p0 =	sne.s32 s14, $0x18800;
	[tilespmem:s13+$0x21F0] =	vst v1  }
0x10: {  	[tilespmem:s13+$0x2000] =	vst v1  }
0x11: {  	[tilespmem:s13+$0x2010] =	vst v1  }
0x12: {  	[tilespmem:s13+$0x2020] =	vst v1  }
0x13: {  	[tilespmem:s13+$0x2030] =	vst v1  }
0x14: {  	[tilespmem:s13+$0x2040] =	vst v1  }
0x15: {  	[tilespmem:s13+$0x2050] =	vst v1  }
0x16: {  	[tilespmem:s13+$0x2060] =	vst v1  }
0x17: {  	[tilespmem:s13+$0x2070] =	vst v1  }
0x18: {  	[tilespmem:s13+$0x2080] =	vst v1  }
0x19: {  	[tilespmem:s13+$0x2090] =	vst v1  }
0x1a: {  	[tilespmem:s13+$0x20A0] =	vst v1  }
0x1b: {  	[tilespmem:s13+$0x20B0] =	vst v1  }
0x1c: {  	[tilespmem:s13+$0x20C0] =	vst v1  }
0x1d: {  	[tilespmem:s13+$0x20D0] =	vst v1  }
0x1e: {  	[tilespmem:s13+$0x20E0] =	vst v1  }
0x1f: {  	[tilespmem:s13+$0x20F0] =	vst v1  }
0x20: {  	[tilespmem:s13+$0x2100] =	vst v1  }
0x21: {  	[tilespmem:s13+$0x2110] =	vst v1  }
0x22: {  	[tilespmem:s13+$0x2120] =	vst v1  }
0x23: {  	[tilespmem:s13+$0x2130] =	vst v1  }
0x24: {  	[tilespmem:s13+$0x2140] =	vst v1  }
0x25: {  	[tilespmem:s13+$0x2150] =	vst v1  }
0x26: {  	[tilespmem:s13+$0x2160] =	vst v1  }
0x27: {  	[tilespmem:s13+$0x2170] =	vst v1  }
0x28: {  	[tilespmem:s13+$0x2180] =	vst v1  }
0x29: {  	[tilespmem:s13+$0x2190] =	vst v1  }
.Ltmp0:
0x2a: {  	[tilespmem:s13+$0x21A0] =	vst v1;
	(pc) =	sbr.rel @p0 .LBB2_2-.Ltmp0, $4  }
0x2b: {  	[tilespmem:s13+$0x21B0] =	vst v1  }
0x2c: {  	[tilespmem:s13+$0x21C0] =	vst v1  }
0x2d: {  	[tilespmem:s13+$0x21D0] =	vst v1  }
0x2e: {  	[tilespmem:s13+$0x21E0] =	vst v1;
	s13 =	sshra.s32 s14, $0x2;
	s14 =	sadd.s32 $0x800, s14  }
0x2f: {  	[tilespmem:s13+$0x21F0] =	vst v1  }
0x30: {  	[tilespmem:s13+$0x2000] =	vst v1  }
0x31: {  	[tilespmem:s13+$0x2010] =	vst v1  }
0x32: {  	[tilespmem:s13+$0x2020] =	vst v1  }
0x33: {  	[tilespmem:s13+$0x2030] =	vst v1  }
0x34: {  	[tilespmem:s13+$0x2040] =	vst v1  }
0x35: {  	[tilespmem:s13+$0x2050] =	vst v1  }
0x36: {  	[tilespmem:s13+$0x2060] =	vst v1  }
0x37: {  	[tilespmem:s13+$0x2070] =	vst v1  }
0x38: {  	[tilespmem:s13+$0x2080] =	vst v1  }
0x39: {  	[tilespmem:s13+$0x2090] =	vst v1  }
0x3a: {  	[tilespmem:s13+$0x20A0] =	vst v1  }
0x3b: {  	[tilespmem:s13+$0x20B0] =	vst v1  }
0x3c: {  	[tilespmem:s13+$0x20C0] =	vst v1  }
0x3d: {  	[tilespmem:s13+$0x20D0] =	vst v1  }
0x3e: {  	[tilespmem:s13+$0x20E0] =	vst v1  }
0x3f: {  	[tilespmem:s13+$0x20F0] =	vst v1  }
0x40: {  	[tilespmem:s13+$0x2100] =	vst v1  }
0x41: {  	[tilespmem:s13+$0x2110] =	vst v1  }
0x42: {  	[tilespmem:s13+$0x2120] =	vst v1  }
0x43: {  	[tilespmem:s13+$0x2130] =	vst v1  }
0x44: {  	[tilespmem:s13+$0x2140] =	vst v1  }
0x45: {  	[tilespmem:s13+$0x2150] =	vst v1  }
0x46: {  	[tilespmem:s13+$0x2160] =	vst v1  }
0x47: {  	[tilespmem:s13+$0x2170] =	vst v1  }
0x48: {  	[tilespmem:s13+$0x2180] =	vst v1  }
0x49: {  	[tilespmem:s13+$0x2190] =	vst v1  }
0x4a: {  	[tilespmem:s13+$0x21A0] =	vst v1  }
0x4b: {  	[tilespmem:s13+$0x21B0] =	vst v1  }
0x4c: {  	[tilespmem:s13+$0x21C0] =	vst v1  }
0x4d: {  	[tilespmem:s13+$0x21D0] =	vst v1  }
0x4e: {  	[tilespmem:s13+$0x21E0] =	vst v1  }
0x4f: {  	_ =	swait.ge [sflag:s8], $0x2000  }
0x50: {  	[sflag:s8] =	ssyncset.done $0x0  }
0x51: {  	[sflag:s8] =	ssyncadd.s32 $0xFFFFE000  }
0x52: {  	v15 =	vld [tilespmem:$0x0];
	_ =	sdelay $0x4  }
0x53: {  	v15 =	vadd.s32 v0, v15;
	_ =	sdelay $0x4  }
0x54: {  	[tilespmem:v15+s9+$0x0] =	vst.idx.msk $0xffff, v2  }
0x55: {  	v15 =	vld [tilespmem:$0x10];
	_ =	sdelay $0x4  }
0x56: {  	v15 =	vadd.s32 v3, v15;
	_ =	sdelay $0x4  }
0x57: {  	[tilespmem:v15+s9+$0x0] =	vst.idx.msk $0xffff, v2  }
0x58: {  	v15 =	vld [tilespmem:$0x20];
	_ =	sdelay $0x4  }
0x59: {  	v15 =	vadd.s32 v4, v15;
	_ =	sdelay $0x4  }
0x5a: {  	[tilespmem:v15+s9+$0x0] =	vst.idx.msk $0xffff, v2  }
0x5b: {  	v15 =	vld [tilespmem:$0x30];
	_ =	sdelay $0x4  }
0x5c: {  	v15 =	vadd.s32 v5, v15;
	_ =	sdelay $0x4  }
0x5d: {  	[tilespmem:v15+s9+$0x0] =	vst.idx.msk $0xffff, v2  }
0x5e: {  	v15 =	vld [tilespmem:$0x40];
	_ =	sdelay $0x4  }
0x5f: {  	v15 =	vadd.s32 v6, v15;
	_ =	sdelay $0x4  }
0x60: {  	[tilespmem:v15+s9+$0x0] =	vst.idx.msk $0xffff, v2  }
0x61: {  	v15 =	vld [tilespmem:$0x50];
	_ =	sdelay $0x4  }
0x62: {  	v15 =	vadd.s32 v7, v15;
	_ =	sdelay $0x4  }
0x63: {  	[tilespmem:v15+s9+$0x0] =	vst.idx.msk $0xffff, v2  }
0x64: {  	v15 =	vld [tilespmem:$0x60];
	_ =	sdelay $0x4  }
0x65: {  	v15 =	vadd.s32 v8, v15;
	_ =	sdelay $0x4  }
0x66: {  	[tilespmem:v15+s9+$0x0] =	vst.idx.msk $0xffff, v2  }
0x67: {  	v15 =	vld [tilespmem:$0x70];
	_ =	sdelay $0x4  }
0x68: {  	v15 =	vadd.s32 v9, v15;
	_ =	sdelay $0x4  }
0x69: {  	[tilespmem:v15+s9+$0x0] =	vst.idx.msk $0xffff, v2  }
0x6a: {  	v15 =	vld [tilespmem:$0x400];
	_ =	sdelay $0x4  }
0x6b: {  	v15 =	vadd.s32 v10, v15;
	_ =	sdelay $0x4  }
0x6c: {  	[tilespmem:v15+s9+$0x0] =	vst.idx.msk $0xffff, v2  }
0x6d: {  	v15 =	vld [tilespmem:$0x410];
	_ =	sdelay $0x4  }
0x6e: {  	v15 =	vadd.s32 v11, v15;
	_ =	sdelay $0x4  }
0x6f: {  	[tilespmem:v15+s9+$0x0] =	vst.idx.msk $0xffff, v2  }
0x70: {  	v15 =	vld [tilespmem:$0x420];
	_ =	sdelay $0x4  }
0x71: {  	v15 =	vadd.s32 v12, v15;
	_ =	sdelay $0x4  }
0x72: {  	[tilespmem:v15+s9+$0x0] =	vst.idx.msk $0xffff, v2  }
0x73: {  	v15 =	vld [tilespmem:$0x430];
	_ =	sdelay $0x4  }
0x74: {  	v15 =	vadd.s32 v13, v15;
	_ =	sdelay $0x4  }
0x75: {  	[tilespmem:v15+s9+$0x0] =	vst.idx.msk $0xffff, v2  }
0x76: {  	v15 =	vld [tilespmem:$0x438];
	_ =	sdelay $0x4  }
0x77: {  	v15 =	vadd.s32 v14, v15;
	_ =	sdelay $0x4  }
0x78: {  	s31 =	simm.s32 $0x0;
	s13 =	simm.s32 $0x0;
	s14 =	simm.s32 $0x800;
	[tilespmem:v15+s9+$0x0] =	vst.idx.msk vm0, v2  }
0x79: {  	[hbm4b:s4+s31] =	stream.linear.scatter [tilespmem:s9], [sflag:$0x1], $0x6400, $0x38;
	[tilespmem:$0xE800] =	vst v63  }
.LBB2_4:
0x7a: {  	p0 =	sne.s32 s14, $0x18800;
	[tilespmem:s13+$0x85F0] =	vst v1  }
0x7b: {  	[tilespmem:s13+$0x8400] =	vst v1  }
0x7c: {  	[tilespmem:s13+$0x8410] =	vst v1  }
0x7d: {  	[tilespmem:s13+$0x8420] =	vst v1  }
0x7e: {  	[tilespmem:s13+$0x8430] =	vst v1  }
0x7f: {  	[tilespmem:s13+$0x8440] =	vst v1  }
0x80: {  	[tilespmem:s13+$0x8450] =	vst v1  }
0x81: {  	[tilespmem:s13+$0x8460] =	vst v1  }
0x82: {  	[tilespmem:s13+$0x8470] =	vst v1  }
0x83: {  	[tilespmem:s13+$0x8480] =	vst v1  }
0x84: {  	[tilespmem:s13+$0x8490] =	vst v1  }
0x85: {  	[tilespmem:s13+$0x84A0] =	vst v1  }
0x86: {  	[tilespmem:s13+$0x84B0] =	vst v1  }
0x87: {  	[tilespmem:s13+$0x84C0] =	vst v1  }
0x88: {  	[tilespmem:s13+$0x84D0] =	vst v1  }
0x89: {  	[tilespmem:s13+$0x84E0] =	vst v1  }
0x8a: {  	[tilespmem:s13+$0x84F0] =	vst v1  }
0x8b: {  	[tilespmem:s13+$0x8500] =	vst v1  }
0x8c: {  	[tilespmem:s13+$0x8510] =	vst v1  }
0x8d: {  	[tilespmem:s13+$0x8520] =	vst v1  }
0x8e: {  	[tilespmem:s13+$0x8530] =	vst v1  }
0x8f: {  	[tilespmem:s13+$0x8540] =	vst v1  }
0x90: {  	[tilespmem:s13+$0x8550] =	vst v1  }
0x91: {  	[tilespmem:s13+$0x8560] =	vst v1  }
0x92: {  	[tilespmem:s13+$0x8570] =	vst v1  }
0x93: {  	[tilespmem:s13+$0x8580] =	vst v1  }
0x94: {  	[tilespmem:s13+$0x8590] =	vst v1  }
.Ltmp1:
0x95: {  	[tilespmem:s13+$0x85A0] =	vst v1;
	(pc) =	sbr.rel @p0 .LBB2_4-.Ltmp1, $4  }
0x96: {  	[tilespmem:s13+$0x85B0] =	vst v1  }
0x97: {  	[tilespmem:s13+$0x85C0] =	vst v1  }
0x98: {  	[tilespmem:s13+$0x85D0] =	vst v1  }
0x99: {  	[tilespmem:s13+$0x85E0] =	vst v1;
	s13 =	sshra.s32 s14, $0x2;
	s14 =	sadd.s32 $0x800, s14  }
0x9a: {  	[tilespmem:s13+$0x85F0] =	vst v1  }
0x9b: {  	[tilespmem:s13+$0x8400] =	vst v1  }
0x9c: {  	[tilespmem:s13+$0x8410] =	vst v1  }
0x9d: {  	[tilespmem:s13+$0x8420] =	vst v1  }
0x9e: {  	[tilespmem:s13+$0x8430] =	vst v1  }
0x9f: {  	[tilespmem:s13+$0x8440] =	vst v1  }
0xa0: {  	[tilespmem:s13+$0x8450] =	vst v1  }
0xa1: {  	[tilespmem:s13+$0x8460] =	vst v1  }
0xa2: {  	[tilespmem:s13+$0x8470] =	vst v1  }
0xa3: {  	[tilespmem:s13+$0x8480] =	vst v1  }
0xa4: {  	[tilespmem:s13+$0x8490] =	vst v1  }
0xa5: {  	[tilespmem:s13+$0x84A0] =	vst v1  }
0xa6: {  	[tilespmem:s13+$0x84B0] =	vst v1  }
0xa7: {  	[tilespmem:s13+$0x84C0] =	vst v1  }
0xa8: {  	[tilespmem:s13+$0x84D0] =	vst v1  }
0xa9: {  	[tilespmem:s13+$0x84E0] =	vst v1  }
0xaa: {  	[tilespmem:s13+$0x84F0] =	vst v1  }
0xab: {  	[tilespmem:s13+$0x8500] =	vst v1  }
0xac: {  	[tilespmem:s13+$0x8510] =	vst v1  }
0xad: {  	[tilespmem:s13+$0x8520] =	vst v1  }
0xae: {  	[tilespmem:s13+$0x8530] =	vst v1  }
0xaf: {  	[tilespmem:s13+$0x8540] =	vst v1  }
0xb0: {  	[tilespmem:s13+$0x8550] =	vst v1  }
0xb1: {  	[tilespmem:s13+$0x8560] =	vst v1  }
0xb2: {  	[tilespmem:s13+$0x8570] =	vst v1  }
0xb3: {  	[tilespmem:s13+$0x8580] =	vst v1  }
0xb4: {  	[tilespmem:s13+$0x8590] =	vst v1  }
0xb5: {  	[tilespmem:s13+$0x85A0] =	vst v1  }
0xb6: {  	[tilespmem:s13+$0x85B0] =	vst v1  }
0xb7: {  	[tilespmem:s13+$0x85C0] =	vst v1  }
0xb8: {  	[tilespmem:s13+$0x85D0] =	vst v1  }
0xb9: {  	[tilespmem:s13+$0x85E0] =	vst v1  }
0xba: {  	v15 =	vld [tilespmem:$0x80];
	_ =	sdelay $0x4  }
0xbb: {  	v15 =	vadd.s32 v0, v15;
	_ =	sdelay $0x4  }
0xbc: {  	[tilespmem:v15+s10+$0x0] =	vst.idx.msk $0xffff, v2  }
0xbd: {  	v15 =	vld [tilespmem:$0x90];
	_ =	sdelay $0x4  }
0xbe: {  	v15 =	vadd.s32 v3, v15;
	_ =	sdelay $0x4  }
0xbf: {  	[tilespmem:v15+s10+$0x0] =	vst.idx.msk $0xffff, v2  }
0xc0: {  	v15 =	vld [tilespmem:$0xA0];
	_ =	sdelay $0x4  }
0xc1: {  	v15 =	vadd.s32 v4, v15;
	_ =	sdelay $0x4  }
0xc2: {  	[tilespmem:v15+s10+$0x0] =	vst.idx.msk $0xffff, v2  }
0xc3: {  	v15 =	vld [tilespmem:$0xB0];
	_ =	sdelay $0x4  }
0xc4: {  	v15 =	vadd.s32 v5, v15;
	_ =	sdelay $0x4  }
0xc5: {  	[tilespmem:v15+s10+$0x0] =	vst.idx.msk $0xffff, v2  }
0xc6: {  	v15 =	vld [tilespmem:$0xC0];
	_ =	sdelay $0x4  }
0xc7: {  	v15 =	vadd.s32 v6, v15;
	_ =	sdelay $0x4  }
0xc8: {  	[tilespmem:v15+s10+$0x0] =	vst.idx.msk $0xffff, v2  }
0xc9: {  	v15 =	vld [tilespmem:$0xD0];
	_ =	sdelay $0x4  }
0xca: {  	v15 =	vadd.s32 v7, v15;
	_ =	sdelay $0x4  }
0xcb: {  	[tilespmem:v15+s10+$0x0] =	vst.idx.msk $0xffff, v2  }
0xcc: {  	v15 =	vld [tilespmem:$0xE0];
	_ =	sdelay $0x4  }
0xcd: {  	v15 =	vadd.s32 v8, v15;
	_ =	sdelay $0x4  }
0xce: {  	[tilespmem:v15+s10+$0x0] =	vst.idx.msk $0xffff, v2  }
0xcf: {  	v15 =	vld [tilespmem:$0xF0];
	_ =	sdelay $0x4  }
0xd0: {  	v15 =	vadd.s32 v9, v15;
	_ =	sdelay $0x4  }
0xd1: {  	[tilespmem:v15+s10+$0x0] =	vst.idx.msk $0xffff, v2  }
0xd2: {  	v15 =	vld [tilespmem:$0x480];
	_ =	sdelay $0x4  }
0xd3: {  	v15 =	vadd.s32 v10, v15;
	_ =	sdelay $0x4  }
0xd4: {  	[tilespmem:v15+s10+$0x0] =	vst.idx.msk $0xffff, v2  }
0xd5: {  	v15 =	vld [tilespmem:$0x490];
	_ =	sdelay $0x4  }
0xd6: {  	v15 =	vadd.s32 v11, v15;
	_ =	sdelay $0x4  }
0xd7: {  	[tilespmem:v15+s10+$0x0] =	vst.idx.msk $0xffff, v2  }
0xd8: {  	v15 =	vld [tilespmem:$0x4A0];
	_ =	sdelay $0x4  }
0xd9: {  	v15 =	vadd.s32 v12, v15;
	_ =	sdelay $0x4  }
0xda: {  	[tilespmem:v15+s10+$0x0] =	vst.idx.msk $0xffff, v2  }
0xdb: {  	v15 =	vld [tilespmem:$0x4B0];
	_ =	sdelay $0x4  }
0xdc: {  	v15 =	vadd.s32 v13, v15;
	_ =	sdelay $0x4  }
0xdd: {  	[tilespmem:v15+s10+$0x0] =	vst.idx.msk $0xffff, v2  }
0xde: {  	v15 =	vld [tilespmem:$0x4B8];
	_ =	sdelay $0x4  }
0xdf: {  	v15 =	vadd.s32 v14, v15;
	_ =	sdelay $0x4  }
0xe0: {  	s13 =	simm.s32 $0x180;
	s14 =	simm.s32 $0x200;
	s15 =	smov.u32 s7;
	[tilespmem:v15+s10+$0x0] =	vst.idx.msk vm0, v2  }
0xe1: {  	[hbm4b:s5+s2] =	stream.linear.scatter [tilespmem:s10], [sflag:$0x2], $0x6400, $0x38;
	[tilespmem:$0xE800] =	vst v63  }
.LBB2_6:
0xe2: {  	_ =	swait.ge [sflag:s8], $0x6400;
	s16 =	sadd.s32 $0xFFFFFE00, s14;
	s17 =	sadd.s32 $0xFFFFFE80, s13  }
0xe3: {  	[sflag:s8] =	ssyncset.done $0x0;
	s16 =	sand.u32 $0xFFFFF800, s16;
	s17 =	sand.u32 $0x300, s17  }
0xe4: {  	[sflag:s8] =	ssyncadd.s32 $0xFFFF9C00;
	s16 =	sor.u32 s17, s16  }
0xe5: {  	v15 =	vld [tilespmem:s16+$0x0];
	_ =	sdelay $0x4  }
0xe6: {  	v15 =	vadd.s32 v0, v15;
	_ =	sdelay $0x4  }
0xe7: {  	[tilespmem:v15+s9+$0x0] =	vst.idx.msk $0xffff, v1  }
0xe8: {  	v15 =	vld [tilespmem:s16+$0x10];
	_ =	sdelay $0x4  }
0xe9: {  	v15 =	vadd.s32 v3, v15;
	_ =	sdelay $0x4  }
0xea: {  	[tilespmem:v15+s9+$0x0] =	vst.idx.msk $0xffff, v1  }
0xeb: {  	v15 =	vld [tilespmem:s16+$0x20];
	_ =	sdelay $0x4  }
0xec: {  	v15 =	vadd.s32 v4, v15;
	_ =	sdelay $0x4  }
0xed: {  	[tilespmem:v15+s9+$0x0] =	vst.idx.msk $0xffff, v1  }
0xee: {  	v15 =	vld [tilespmem:s16+$0x30];
	_ =	sdelay $0x4  }
0xef: {  	v15 =	vadd.s32 v5, v15;
	_ =	sdelay $0x4  }
0xf0: {  	[tilespmem:v15+s9+$0x0] =	vst.idx.msk $0xffff, v1  }
0xf1: {  	v15 =	vld [tilespmem:s16+$0x40];
	_ =	sdelay $0x4  }
0xf2: {  	v15 =	vadd.s32 v6, v15;
	_ =	sdelay $0x4  }
0xf3: {  	[tilespmem:v15+s9+$0x0] =	vst.idx.msk $0xffff, v1  }
0xf4: {  	v15 =	vld [tilespmem:s16+$0x50];
	_ =	sdelay $0x4  }
0xf5: {  	v15 =	vadd.s32 v7, v15;
	_ =	sdelay $0x4  }
0xf6: {  	[tilespmem:v15+s9+$0x0] =	vst.idx.msk $0xffff, v1  }
0xf7: {  	v15 =	vld [tilespmem:s16+$0x60];
	_ =	sdelay $0x4  }
0xf8: {  	v15 =	vadd.s32 v8, v15;
	_ =	sdelay $0x4  }
0xf9: {  	[tilespmem:v15+s9+$0x0] =	vst.idx.msk $0xffff, v1  }
0xfa: {  	v15 =	vld [tilespmem:s16+$0x70];
	_ =	sdelay $0x4  }
0xfb: {  	v15 =	vadd.s32 v9, v15;
	_ =	sdelay $0x4  }
0xfc: {  	[tilespmem:v15+s9+$0x0] =	vst.idx.msk $0xffff, v1  }
0xfd: {  	v15 =	vld [tilespmem:s16+$0x400];
	_ =	sdelay $0x4  }
0xfe: {  	v15 =	vadd.s32 v10, v15;
	_ =	sdelay $0x4  }
0xff: {  	[tilespmem:v15+s9+$0x0] =	vst.idx.msk $0xffff, v1  }
0x100: {  	v15 =	vld [tilespmem:s16+$0x410];
	_ =	sdelay $0x4  }
0x101: {  	v15 =	vadd.s32 v11, v15;
	_ =	sdelay $0x4  }
0x102: {  	[tilespmem:v15+s9+$0x0] =	vst.idx.msk $0xffff, v1  }
0x103: {  	v15 =	vld [tilespmem:s16+$0x420];
	_ =	sdelay $0x4  }
0x104: {  	v15 =	vadd.s32 v12, v15;
	_ =	sdelay $0x4  }
0x105: {  	[tilespmem:v15+s9+$0x0] =	vst.idx.msk $0xffff, v1  }
0x106: {  	v15 =	vld [tilespmem:s16+$0x430];
	_ =	sdelay $0x4  }
0x107: {  	v15 =	vadd.s32 v13, v15;
	_ =	sdelay $0x4  }
0x108: {  	[tilespmem:v15+s9+$0x0] =	vst.idx.msk $0xffff, v1  }
0x109: {  	v15 =	vld [tilespmem:s16+$0x438];
	_ =	sdelay $0x4  }
0x10a: {  	v15 =	vadd.s32 v14, v15;
	_ =	sdelay $0x2  }
0x10b: {  	s26 =	sadd.s32 $0xFFFFFF80, s13  }
0x10c: {  	s28 =	sand.u32 $0x1800, s14;
	s17 =	sand.u32 $0x300, s26  }
0x10d: {  	s17 =	sor.u32 s17, s28;
	[tilespmem:v15+s9+$0x0] =	vst.idx.msk vm0, v1  }
0x10e: {  	v15 =	vld [tilespmem:s17+$0x0];
	_ =	sdelay $0x4  }
0x10f: {  	v15 =	vadd.s32 v0, v15;
	_ =	sdelay $0x4  }
0x110: {  	[tilespmem:v15+s9+$0x0] =	vst.idx.msk $0xffff, v2  }
0x111: {  	v15 =	vld [tilespmem:s17+$0x10];
	_ =	sdelay $0x4  }
0x112: {  	v15 =	vadd.s32 v3, v15;
	_ =	sdelay $0x4  }
0x113: {  	[tilespmem:v15+s9+$0x0] =	vst.idx.msk $0xffff, v2  }
0x114: {  	v15 =	vld [tilespmem:s17+$0x20];
	_ =	sdelay $0x4  }
0x115: {  	v15 =	vadd.s32 v4, v15;
	_ =	sdelay $0x4  }
0x116: {  	[tilespmem:v15+s9+$0x0] =	vst.idx.msk $0xffff, v2  }
0x117: {  	v15 =	vld [tilespmem:s17+$0x30];
	_ =	sdelay $0x4  }
0x118: {  	v15 =	vadd.s32 v5, v15;
	_ =	sdelay $0x4  }
0x119: {  	[tilespmem:v15+s9+$0x0] =	vst.idx.msk $0xffff, v2  }
0x11a: {  	v15 =	vld [tilespmem:s17+$0x40];
	_ =	sdelay $0x4  }
0x11b: {  	v15 =	vadd.s32 v6, v15;
	_ =	sdelay $0x4  }
0x11c: {  	[tilespmem:v15+s9+$0x0] =	vst.idx.msk $0xffff, v2  }
0x11d: {  	v15 =	vld [tilespmem:s17+$0x50];
	_ =	sdelay $0x4  }
0x11e: {  	v15 =	vadd.s32 v7, v15;
	_ =	sdelay $0x4  }
0x11f: {  	[tilespmem:v15+s9+$0x0] =	vst.idx.msk $0xffff, v2  }
0x120: {  	v15 =	vld [tilespmem:s17+$0x60];
	_ =	sdelay $0x4  }
0x121: {  	v15 =	vadd.s32 v8, v15;
	_ =	sdelay $0x4  }
0x122: {  	[tilespmem:v15+s9+$0x0] =	vst.idx.msk $0xffff, v2  }
0x123: {  	v15 =	vld [tilespmem:s17+$0x70];
	_ =	sdelay $0x4  }
0x124: {  	v15 =	vadd.s32 v9, v15;
	_ =	sdelay $0x4  }
0x125: {  	[tilespmem:v15+s9+$0x0] =	vst.idx.msk $0xffff, v2  }
0x126: {  	v15 =	vld [tilespmem:s17+$0x400];
	_ =	sdelay $0x4  }
0x127: {  	v15 =	vadd.s32 v10, v15;
	_ =	sdelay $0x4  }
0x128: {  	[tilespmem:v15+s9+$0x0] =	vst.idx.msk $0xffff, v2  }
0x129: {  	v15 =	vld [tilespmem:s17+$0x410];
	_ =	sdelay $0x4  }
0x12a: {  	v15 =	vadd.s32 v11, v15;
	_ =	sdelay $0x4  }
0x12b: {  	[tilespmem:v15+s9+$0x0] =	vst.idx.msk $0xffff, v2  }
0x12c: {  	v15 =	vld [tilespmem:s17+$0x420];
	_ =	sdelay $0x4  }
0x12d: {  	v15 =	vadd.s32 v12, v15;
	_ =	sdelay $0x4  }
0x12e: {  	[tilespmem:v15+s9+$0x0] =	vst.idx.msk $0xffff, v2  }
0x12f: {  	v15 =	vld [tilespmem:s17+$0x430];
	_ =	sdelay $0x4  }
0x130: {  	v15 =	vadd.s32 v13, v15;
	_ =	sdelay $0x4  }
0x131: {  	[tilespmem:v15+s9+$0x0] =	vst.idx.msk $0xffff, v2  }
0x132: {  	v15 =	vld [tilespmem:s17+$0x438];
	_ =	sdelay $0x4  }
0x133: {  	v15 =	vadd.s32 v14, v15;
	_ =	sdelay $0x4  }
0x134: {  	[tilespmem:v15+s9+$0x0] =	vst.idx.msk vm0, v2  }
0x135: {  	[hbm4b:s15+s2] =	stream.linear.scatter [tilespmem:s9], [sflag:$0x1], $0x6400, $0x38;
	[tilespmem:$0xE800] =	vst v63  }
0x136: {  	s29 =	sadd.s32 $0xFFFFFF00, s14;
	s18 =	sadd.s32 $0xFFFFFF00, s13;
	_ =	swait.ge [sflag:s11], $0x6400  }
0x137: {  	s18 =	sand.u32 $0x380, s18;
	s17 =	sand.u32 $0xFFFFF800, s29;
	[sflag:s11] =	ssyncset.done $0x0  }
0x138: {  	s17 =	sor.u32 s18, s17;
	[sflag:s11] =	ssyncadd.s32 $0xFFFF9C00  }
0x139: {  	v15 =	vld [tilespmem:s17+$0x0];
	_ =	sdelay $0x4  }
0x13a: {  	v15 =	vadd.s32 v0, v15;
	_ =	sdelay $0x4  }
0x13b: {  	[tilespmem:v15+s10+$0x0] =	vst.idx.msk $0xffff, v1  }
0x13c: {  	v15 =	vld [tilespmem:s17+$0x10];
	_ =	sdelay $0x4  }
0x13d: {  	v15 =	vadd.s32 v3, v15;
	_ =	sdelay $0x4  }
0x13e: {  	[tilespmem:v15+s10+$0x0] =	vst.idx.msk $0xffff, v1  }
0x13f: {  	v15 =	vld [tilespmem:s17+$0x20];
	_ =	sdelay $0x4  }
0x140: {  	v15 =	vadd.s32 v4, v15;
	_ =	sdelay $0x4  }
0x141: {  	[tilespmem:v15+s10+$0x0] =	vst.idx.msk $0xffff, v1  }
0x142: {  	v15 =	vld [tilespmem:s17+$0x30];
	_ =	sdelay $0x4  }
0x143: {  	v15 =	vadd.s32 v5, v15;
	_ =	sdelay $0x4  }
0x144: {  	[tilespmem:v15+s10+$0x0] =	vst.idx.msk $0xffff, v1  }
0x145: {  	v15 =	vld [tilespmem:s17+$0x40];
	_ =	sdelay $0x4  }
0x146: {  	v15 =	vadd.s32 v6, v15;
	_ =	sdelay $0x4  }
0x147: {  	[tilespmem:v15+s10+$0x0] =	vst.idx.msk $0xffff, v1  }
0x148: {  	v15 =	vld [tilespmem:s17+$0x50];
	_ =	sdelay $0x4  }
0x149: {  	v15 =	vadd.s32 v7, v15;
	_ =	sdelay $0x4  }
0x14a: {  	[tilespmem:v15+s10+$0x0] =	vst.idx.msk $0xffff, v1  }
0x14b: {  	v15 =	vld [tilespmem:s17+$0x60];
	_ =	sdelay $0x4  }
0x14c: {  	v15 =	vadd.s32 v8, v15;
	_ =	sdelay $0x4  }
0x14d: {  	[tilespmem:v15+s10+$0x0] =	vst.idx.msk $0xffff, v1  }
0x14e: {  	v15 =	vld [tilespmem:s17+$0x70];
	_ =	sdelay $0x4  }
0x14f: {  	v15 =	vadd.s32 v9, v15;
	_ =	sdelay $0x4  }
0x150: {  	[tilespmem:v15+s10+$0x0] =	vst.idx.msk $0xffff, v1  }
0x151: {  	v15 =	vld [tilespmem:s17+$0x400];
	_ =	sdelay $0x4  }
0x152: {  	v15 =	vadd.s32 v10, v15;
	_ =	sdelay $0x4  }
0x153: {  	[tilespmem:v15+s10+$0x0] =	vst.idx.msk $0xffff, v1  }
0x154: {  	v15 =	vld [tilespmem:s17+$0x410];
	_ =	sdelay $0x4  }
0x155: {  	v15 =	vadd.s32 v11, v15;
	_ =	sdelay $0x4  }
0x156: {  	[tilespmem:v15+s10+$0x0] =	vst.idx.msk $0xffff, v1  }
0x157: {  	v15 =	vld [tilespmem:s17+$0x420];
	_ =	sdelay $0x4  }
0x158: {  	v15 =	vadd.s32 v12, v15;
	_ =	sdelay $0x4  }
0x159: {  	[tilespmem:v15+s10+$0x0] =	vst.idx.msk $0xffff, v1  }
0x15a: {  	v15 =	vld [tilespmem:s17+$0x430];
	_ =	sdelay $0x4  }
0x15b: {  	v15 =	vadd.s32 v13, v15;
	_ =	sdelay $0x4  }
0x15c: {  	[tilespmem:v15+s10+$0x0] =	vst.idx.msk $0xffff, v1  }
0x15d: {  	v15 =	vld [tilespmem:s17+$0x438];
	_ =	sdelay $0x4  }
0x15e: {  	v15 =	vadd.s32 v14, v15;
	_ =	sdelay $0x3  }
0x15f: {  	s30 =	sand.u32 $0x380, s13  }
0x160: {  	s16 =	sor.u32 s30, s28;
	[tilespmem:v15+s10+$0x0] =	vst.idx.msk vm0, v1  }
0x161: {  	v15 =	vld [tilespmem:s16+$0x0];
	_ =	sdelay $0x4  }
0x162: {  	v15 =	vadd.s32 v0, v15;
	_ =	sdelay $0x4  }
0x163: {  	[tilespmem:v15+s10+$0x0] =	vst.idx.msk $0xffff, v2  }
0x164: {  	v15 =	vld [tilespmem:s16+$0x10];
	_ =	sdelay $0x4  }
0x165: {  	v15 =	vadd.s32 v3, v15;
	_ =	sdelay $0x4  }
0x166: {  	[tilespmem:v15+s10+$0x0] =	vst.idx.msk $0xffff, v2  }
0x167: {  	v15 =	vld [tilespmem:s16+$0x20];
	_ =	sdelay $0x4  }
0x168: {  	v15 =	vadd.s32 v4, v15;
	_ =	sdelay $0x4  }
0x169: {  	[tilespmem:v15+s10+$0x0] =	vst.idx.msk $0xffff, v2  }
0x16a: {  	v15 =	vld [tilespmem:s16+$0x30];
	_ =	sdelay $0x4  }
0x16b: {  	v15 =	vadd.s32 v5, v15;
	_ =	sdelay $0x4  }
0x16c: {  	[tilespmem:v15+s10+$0x0] =	vst.idx.msk $0xffff, v2  }
0x16d: {  	v15 =	vld [tilespmem:s16+$0x40];
	_ =	sdelay $0x4  }
0x16e: {  	v15 =	vadd.s32 v6, v15;
	_ =	sdelay $0x4  }
0x16f: {  	[tilespmem:v15+s10+$0x0] =	vst.idx.msk $0xffff, v2  }
0x170: {  	v15 =	vld [tilespmem:s16+$0x50];
	_ =	sdelay $0x4  }
0x171: {  	v15 =	vadd.s32 v7, v15;
	_ =	sdelay $0x4  }
0x172: {  	[tilespmem:v15+s10+$0x0] =	vst.idx.msk $0xffff, v2  }
0x173: {  	v15 =	vld [tilespmem:s16+$0x60];
	_ =	sdelay $0x4  }
0x174: {  	v15 =	vadd.s32 v8, v15;
	_ =	sdelay $0x4  }
0x175: {  	[tilespmem:v15+s10+$0x0] =	vst.idx.msk $0xffff, v2  }
0x176: {  	v15 =	vld [tilespmem:s16+$0x70];
	_ =	sdelay $0x4  }
0x177: {  	v15 =	vadd.s32 v9, v15;
	_ =	sdelay $0x4  }
0x178: {  	[tilespmem:v15+s10+$0x0] =	vst.idx.msk $0xffff, v2  }
0x179: {  	v15 =	vld [tilespmem:s16+$0x400];
	_ =	sdelay $0x4  }
0x17a: {  	v15 =	vadd.s32 v10, v15;
	_ =	sdelay $0x4  }
0x17b: {  	[tilespmem:v15+s10+$0x0] =	vst.idx.msk $0xffff, v2  }
0x17c: {  	v15 =	vld [tilespmem:s16+$0x410];
	_ =	sdelay $0x4  }
0x17d: {  	v15 =	vadd.s32 v11, v15;
	_ =	sdelay $0x4  }
0x17e: {  	[tilespmem:v15+s10+$0x0] =	vst.idx.msk $0xffff, v2  }
0x17f: {  	v15 =	vld [tilespmem:s16+$0x420];
	_ =	sdelay $0x4  }
0x180: {  	v15 =	vadd.s32 v12, v15;
	_ =	sdelay $0x4  }
0x181: {  	[tilespmem:v15+s10+$0x0] =	vst.idx.msk $0xffff, v2  }
0x182: {  	v15 =	vld [tilespmem:s16+$0x430];
	_ =	sdelay $0x4  }
0x183: {  	v15 =	vadd.s32 v13, v15;
	_ =	sdelay $0x4  }
0x184: {  	[tilespmem:v15+s10+$0x0] =	vst.idx.msk $0xffff, v2  }
0x185: {  	v15 =	vld [tilespmem:s16+$0x438];
	_ =	sdelay $0x4  }
0x186: {  	v15 =	vadd.s32 v14, v15  }
0x187: {  	p0 =	sne.s32 s13, $0xF80  }
.Ltmp2:
0x188: {  	_ = 	snop;
	(pc) =	sbr.rel @p0 .LBB2_6-.Ltmp2, $4  }
0x189: {  	_ = 	snop  }
0x18a: {  	s31 =	sadd.s32 $0xC80, s15  }
0x18b: {  	s14 =	sadd.s32 $0x200, s14;
	s13 =	sadd.s32 $0x100, s13;
	s15 =	sadd.s32 $0x1900, s15;
	[tilespmem:v15+s10+$0x0] =	vst.idx.msk vm0, v2  }
0x18c: {  	[hbm4b:s31+s2] =	stream.linear.scatter [tilespmem:s10], [sflag:$0x2], $0x6400, $0x38;
	[tilespmem:$0xE800] =	vst v63  }
0x18d: {  	s12 =	sadd.s32 $0x1, s12  }
0x18e: {  	_ =	swait.ge [sflag:s8], $0x6400;
	p0 =	sne.s32 s12, s6  }
.Ltmp3:
0x18f: {  	[sflag:s8] =	ssyncset.done $0x0;
	(pc) =	sbr.rel @p0 .LBB2_1-.Ltmp3, $4  }
0x190: {  	[sflag:s8] =	ssyncadd.s32 $0xFFFF9C00  }
0x191: {  	_ =	swait.ge [sflag:s11], $0x6400  }
0x192: {  	[sflag:s11] =	ssyncset.done $0x0  }
0x193: {  	[sflag:s11] =	ssyncadd.s32 $0xFFFF9C00  }
0x194: {  	_ =	sfence.sel $0x180000  }
0x195: {  	[bflag:$0x0] =	sbarrier.arrive $0xFFFF  }
0x196: {  	p0 =	sne.s32 s1, $0x0;
	_ =	strace $0x90000047  }
0x197: {  	s0 =	sadd.s32 @!p0 $0x100000, s0;
	[bflag:$0x2] =	sbarrier.arrive $0xFFFF  }
0x198: {  	[sflag:s0] =	ssyncadd.tile.s32 @!p0 $0x1;
	_ =	shalt  }
.Lfunc_end2:
_tile_overlayer_lowered:
.L_overlay_start_2:
0x199: {  	(tag) =	ssettag $0x2  }
0x19a: {  	s0 =	rddreg [dreg:$0x0];
	s2 =	stileid.u32  }
0x19b: {  	s1 =	rddreg [dreg:$0x1];
	p0 =	sne.s32 s2, $0x0  }
0x19c: {  	s3 =	rddreg [dreg:$0x2];
	[bflag:$0x3] =	sbarrier.arrive $0xFFFF;
	s2 =	simm.s32 @!p0 $0x1C03  }
0x19d: {  	[timem:s3], [sflag:s2] =	dma.local @!p0 [hbm:s0], s1  }
0x19e: {  	s0 =	simm.s32 @!p0 $0x3  }
0x19f: {  	_ =	swait.ge @!p0 [sflag:s0], s1  }
0x1a0: {  	s1 =	ssub.s32 @!p0 $0x0, s1;
	[sflag:s0] =	ssyncset.done @!p0 $0x0  }
0x1a1: {  	[sflag:s0] =	ssyncadd.s32 @!p0 s1  }
0x1a2: {  	[bflag:$0x3] =	sbarrier.arrive $0xFFFF  }
0x1a3: {  	_ =	shalt  }

</sc_bundles>
